<compile_context>
chip_gen: v7x
topology: tpu7x:2x2x1
jax: 0.10.2.dev20260603
libtpu: 0.0.44.dev20260713+nightly
codegen_flags: <defaults>
</compile_context>

<pallas_src>
import functools

import jax
import jax.numpy as jnp
from jax import lax
from jax.experimental import pallas as pl
from jax.experimental.pallas import tpu as pltpu
from jax.experimental.pallas import tpu_sc as plsc

N = 10000
E = 320000
D = 128

NC = 2
NS = 16
LANES = 16
C = 40
EPT = E // (NC * NS)
NCHUNK = EPT // C
ROW_BLK = 2000


def _bf16_bits(y):
    yb = y.astype(jnp.bfloat16).astype(jnp.float32)
    return lax.shift_right_logical(lax.bitcast_convert_type(yb, jnp.int32), 16)


def _mm_body(x_ref, wk, bk, wqe, bqe, wqo, bqo, wve, bve, wvo, bvo, ws, bs,
             k_out, qv_out, b_out):
    xb = x_ref[...]
    k_out[...] = -(jnp.dot(xb, wk[...], preferred_element_type=jnp.float32)
                   + bk[...])
    qe = jnp.dot(xb, wqe[...], preferred_element_type=jnp.float32) + bqe[...]
    qo = jnp.dot(xb, wqo[...], preferred_element_type=jnp.float32) + bqo[...]
    ve = jnp.dot(xb, wve[...], preferred_element_type=jnp.float32) + bve[...]
    vo = jnp.dot(xb, wvo[...], preferred_element_type=jnp.float32) + bvo[...]
    wq = jnp.bitwise_or(_bf16_bits(qe), lax.shift_left(_bf16_bits(qo), 16))
    wv = jnp.bitwise_or(_bf16_bits(ve), lax.shift_left(_bf16_bits(vo), 16))
    qv_out[...] = jnp.concatenate([wq, wv], axis=1)
    b_out[...] = (jnp.dot(xb, ws[...], preferred_element_type=jnp.float32)
                  + bs[...]) * 0.5


def _stage1(x, Wk, bk, Wq, bq, Wv, bv, Ws, bias):
    nblk = N // ROW_BLK
    row_spec = pl.BlockSpec((ROW_BLK, D), lambda i: (i, 0))
    w_spec = pl.BlockSpec((D, D), lambda i: (0, 0))
    h_spec = pl.BlockSpec((D, D // 2), lambda i: (0, 0))
    b_spec = pl.BlockSpec((1, D), lambda i: (0, 0))
    bh_spec = pl.BlockSpec((1, D // 2), lambda i: (0, 0))
    out_qv = jax.ShapeDtypeStruct((N, D), jnp.int32)
    out32 = jax.ShapeDtypeStruct((N, D), jnp.float32)
    lo = jnp.asarray([32 * i + r for i in range(D // 32) for r in range(16)],
                     dtype=jnp.int32)
    hi = lo + 16
    return pl.pallas_call(
        _mm_body,
        grid=(nblk,),
        in_specs=[row_spec, w_spec, b_spec, h_spec, bh_spec, h_spec, bh_spec,
                  h_spec, bh_spec, h_spec, bh_spec, w_spec, b_spec],
        out_specs=[row_spec, row_spec, row_spec],
        out_shape=[out32, out_qv, out32],
    )(x, Wk, bk.reshape(1, D),
      Wq[:, lo], bq[lo].reshape(1, D // 2), Wq[:, hi], bq[hi].reshape(1, D // 2),
      Wv[:, lo], bv[lo].reshape(1, D // 2), Wv[:, hi], bv[hi].reshape(1, D // 2),
      Ws, bias.reshape(1, D))


def _sc_body(src_hbm, dst_hbm, k_hbm, qv_hbm, base_hbm,
             p0_hbm, p1_hbm,
             di0, si0, ds0, kd0, qv0, mg0, di1, si1, ds1, kd1, qv1, mg1, agg,
             semi0, semk0, semq0, sems0, semi1, semk1, semq1, sems1):
    cid = lax.axis_index("c")
    sid = lax.axis_index("s")
    wid = cid * NS + sid

    @pl.when(sid == 0)
    def _():
        pltpu.sync_copy(base_hbm, agg)

    plsc.subcore_barrier()

    bufs = ((di0, si0, ds0, kd0, qv0, mg0, semi0, semk0, semq0, sems0),
            (di1, si1, ds1, kd1, qv1, mg1, semi1, semk1, semq1, sems1))

    def idx_start(b, t):
        di, si, dsc, kd, qv, mg, smi, sk, sq, ss = bufs[b]
        pltpu.async_copy(dst_hbm.at[wid, pl.ds(t, 1)], di, smi)
        pltpu.async_copy(dst_hbm.at[wid, pl.ds(t, 1)], dsc, smi)
        pltpu.async_copy(src_hbm.at[wid, pl.ds(t, 1)], si, smi)

    def idx_wait(b, t):
        di, si, dsc, kd, qv, mg, smi, sk, sq, ss = bufs[b]
        pltpu.make_async_copy(dst_hbm.at[wid, pl.ds(t, 1)], di, smi).wait()
        pltpu.make_async_copy(dst_hbm.at[wid, pl.ds(t, 1)], dsc, smi).wait()
        pltpu.make_async_copy(src_hbm.at[wid, pl.ds(t, 1)], si, smi).wait()

    def start_g(b, t):
        di, si, dsc, kd, qv, mg, smi, sk, sq, ss = bufs[b]
        idx_wait(b, t)
        pltpu.async_copy(k_hbm.at[di.at[0]], kd, sk)
        pltpu.async_copy(qv_hbm.at[si.at[0]], qv, sq)

    def scat_wait(b):
        di, si, dsc, kd, qv, mg, smi, sk, sq, ss = bufs[b]
        pltpu.make_async_copy(mg, agg.at[dsc.at[0]], ss).wait()

    def finish(b, t):
        di, si, dsc, kd, qv, mg, smi, sk, sq, ss = bufs[b]
        pltpu.make_async_copy(k_hbm.at[di.at[0]], kd, sk).wait()
        pltpu.make_async_copy(qv_hbm.at[si.at[0]], qv, sq).wait()

        @pl.when(t >= 2)
        def _():
            scat_wait(b)

        hi_mask = jnp.full((LANES,), -65536, dtype=jnp.int32)
        sh16 = jnp.full((LANES,), 16, dtype=jnp.int32)
        one = jnp.full((LANES,), 1.0, dtype=jnp.float32)

        def _halves(w):
            lo = lax.bitcast_convert_type(lax.shift_left(w, sh16), jnp.float32)
            hi = lax.bitcast_convert_type(lax.bitwise_and(w, hi_mask), jnp.float32)
            return lo, hi

        def row_body(j, rcarry):
            for i in range(D // 32):
                qa, qb = _halves(qv[j, pl.ds(i * LANES, LANES)])
                va, vb = _halves(qv[j, pl.ds(D // 2 + i * LANES, LANES)])
                ka = kd[j, pl.ds(i * 32, LANES)]
                kb = kd[j, pl.ds(i * 32 + LANES, LANES)]
                mg[j, pl.ds(i * 32, LANES)] = va / (one + jnp.exp(ka - qa))
                mg[j, pl.ds(i * 32 + LANES, LANES)] = vb / (one + jnp.exp(kb - qb))
            return rcarry

        lax.fori_loop(0, C, row_body, 0)
        pltpu.async_copy(mg, agg.at[dsc.at[0]], ss, add=True)

        @pl.when(t + 2 < NCHUNK)
        def _():
            idx_start(b, t + 2)

    idx_start(0, 0)
    idx_start(1, 1)
    start_g(0, 0)

    def pair_body(it, carry):
        c0 = it * 2
        c1 = c0 + 1
        start_g(1, c1)
        finish(0, c0)

        @pl.when(c1 + 1 < NCHUNK)
        def _():
            start_g(0, c1 + 1)

        finish(1, c1)
        return carry

    lax.fori_loop(0, NCHUNK // 2, pair_body, 0)

    scat_wait(0)
    scat_wait(1)

    plsc.subcore_barrier()

    rows_pt = 624
    tail = N - (NS - 1) * rows_pt
    roff = pl.multiple_of(sid * rows_pt, 8)

    @pl.when(cid == 0)
    def _():
        @pl.when(sid < NS - 1)
        def _():
            pltpu.sync_copy(agg.at[pl.ds(roff, rows_pt)],
                            p0_hbm.at[pl.ds(roff, rows_pt)])

        @pl.when(sid == NS - 1)
        def _():
            pltpu.sync_copy(agg.at[pl.ds((NS - 1) * rows_pt, tail)],
                            p0_hbm.at[pl.ds((NS - 1) * rows_pt, tail)])

    @pl.when(cid == 1)
    def _():
        @pl.when(sid < NS - 1)
        def _():
            pltpu.sync_copy(agg.at[pl.ds(roff, rows_pt)],
                            p1_hbm.at[pl.ds(roff, rows_pt)])

        @pl.when(sid == NS - 1)
        def _():
            pltpu.sync_copy(agg.at[pl.ds((NS - 1) * rows_pt, tail)],
                            p1_hbm.at[pl.ds((NS - 1) * rows_pt, tail)])


@functools.lru_cache(maxsize=1)
def _sc_edges():
    return pl.kernel(
        _sc_body,
        out_type=[jax.ShapeDtypeStruct((N, D), jnp.float32)] * 2,
        mesh=plsc.VectorSubcoreMesh(core_axis_name="c", subcore_axis_name="s",
                                    num_cores=NC, num_subcores=NS),
        scratch_types=[
            pltpu.VMEM((1, C), jnp.int32),
            pltpu.VMEM((1, C), jnp.int32),
            pltpu.VMEM((1, C), jnp.int32),
            pltpu.VMEM((C, D), jnp.float32),
            pltpu.VMEM((C, D), jnp.int32),
            pltpu.VMEM((C, D), jnp.float32),
            pltpu.VMEM((1, C), jnp.int32),
            pltpu.VMEM((1, C), jnp.int32),
            pltpu.VMEM((1, C), jnp.int32),
            pltpu.VMEM((C, D), jnp.float32),
            pltpu.VMEM((C, D), jnp.int32),
            pltpu.VMEM((C, D), jnp.float32),
            pltpu.VMEM_SHARED((N, D), jnp.float32),
            pltpu.SemaphoreType.DMA,
            pltpu.SemaphoreType.DMA,
            pltpu.SemaphoreType.DMA,
            pltpu.SemaphoreType.DMA,
            pltpu.SemaphoreType.DMA,
            pltpu.SemaphoreType.DMA,
            pltpu.SemaphoreType.DMA,
            pltpu.SemaphoreType.DMA,
        ],
    )


def _add_body(a_ref, b_ref, o_ref):
    o_ref[...] = a_ref[...] + b_ref[...]


def _stage3(p0, p1):
    row_spec = pl.BlockSpec((ROW_BLK, D), lambda i: (i, 0))
    return pl.pallas_call(
        _add_body,
        grid=(N // ROW_BLK,),
        in_specs=[row_spec, row_spec],
        out_specs=row_spec,
        out_shape=jax.ShapeDtypeStruct((N, D), jnp.float32),
    )(p0, p1)


def kernel(x, edge_index, Wk, bk, Wq, bq, Wv, bv, Ws, bias):
    src = edge_index[0].reshape(NC * NS, NCHUNK, C)
    dst = edge_index[1].reshape(NC * NS, NCHUNK, C)
    kneg, qv32, base_half = _stage1(x, Wk, bk, Wq, bq, Wv, bv, Ws, bias)
    p0, p1 = _sc_edges()(src, dst, kneg, qv32, base_half)
    return _stage3(p0, p1)

# --- scband reference (transcript-rebuilt; emitter-appended) ---
"""Pipeline reference for scband-gated-gcn-25804163514907 (READ-ONLY COPY).

The authoritative reference and input builder live on the scoring server;
editing this copy changes nothing except your own understanding.
"""

import jax, jax.numpy as jnp
import numpy as np

N = 10000
E = 320000
D = 128

def setup_inputs(seed: int = 0) -> dict:
    key = jax.random.key(seed)
    ks = jax.random.split(key, 10)
    x = jax.random.normal(ks[0], (N, D), dtype=jnp.float32)
    edge_index = jax.random.randint(ks[1], (2, E), 0, N, dtype=jnp.int32)
    s = 1.0 / np.sqrt(D)
    Wk = jax.random.normal(ks[2], (D, D), dtype=jnp.float32) * s
    bk = jnp.zeros((D,), dtype=jnp.float32)
    Wq = jax.random.normal(ks[3], (D, D), dtype=jnp.float32) * s
    bq = jnp.zeros((D,), dtype=jnp.float32)
    Wv = jax.random.normal(ks[4], (D, D), dtype=jnp.float32) * s
    bv = jnp.zeros((D,), dtype=jnp.float32)
    Ws = jax.random.normal(ks[5], (D, D), dtype=jnp.float32) * s
    bias = jnp.zeros((D,), dtype=jnp.float32)
    return {"x": x, "edge_index": edge_index, "Wk": Wk, "bk": bk, "Wq": Wq, "bq": bq, "Wv": Wv, "bv": bv, "Ws": Ws, "bias": bias}

def reference(x, edge_index, Wk, bk, Wq, bq, Wv, bv, Ws, bias):
    # PyG ResGatedGraphConv:
    #   k = lin_key(x_target), q = lin_query(x_source), v = lin_value(x_source)
    #   message(j->i) = sigmoid(k_i + q_j) * v_j, aggregated by sum at i
    #   out = aggr + lin_skip(x) + bias
    src = edge_index[0]
    dst = edge_index[1]
    k = x @ Wk + bk
    q = x @ Wq + bq
    v = x @ Wv + bv
    eta = jax.nn.sigmoid(k[dst] + q[src])  # gather at dst and src
    msg = eta * v[src]
    agg = jnp.zeros((N, D), dtype=x.dtype).at[dst].add(msg)  # scatter-add
    out = agg + x @ Ws + bias
    return out

if __name__ == "__main__":
    import jax
    _d = setup_inputs()
    print(jax.jit(kernel)(*tuple(_d.values())))

</pallas_src>

<mosaic_0001>
#map = affine_map<(d0, d1) -> (0, 0, 0)>
#map1 = affine_map<(d0, d1) -> (0, 0)>
module attributes {stable_mosaic.version = 14 : i64} {
  func.func @_sc_body(%arg0: i32, %arg1: i32, %arg2: memref<32x250x40xi32, #tpu.memory_space<hbm>>, %arg3: memref<32x250x40xi32, #tpu.memory_space<hbm>>, %arg4: memref<10000x128xf32, #tpu.memory_space<hbm>>, %arg5: memref<10000x128xi32, #tpu.memory_space<hbm>>, %arg6: memref<10000x128xf32, #tpu.memory_space<hbm>>, %arg7: memref<10000x128xf32, #tpu.memory_space<hbm>>, %arg8: memref<10000x128xf32, #tpu.memory_space<hbm>>, %arg9: memref<1x40xi32, #tpu.memory_space<vmem>>, %arg10: memref<1x40xi32, #tpu.memory_space<vmem>>, %arg11: memref<1x40xi32, #tpu.memory_space<vmem>>, %arg12: memref<40x128xf32, #tpu.memory_space<vmem>>, %arg13: memref<40x128xi32, #tpu.memory_space<vmem>>, %arg14: memref<40x128xf32, #tpu.memory_space<vmem>>, %arg15: memref<1x40xi32, #tpu.memory_space<vmem>>, %arg16: memref<1x40xi32, #tpu.memory_space<vmem>>, %arg17: memref<1x40xi32, #tpu.memory_space<vmem>>, %arg18: memref<40x128xf32, #tpu.memory_space<vmem>>, %arg19: memref<40x128xi32, #tpu.memory_space<vmem>>, %arg20: memref<40x128xf32, #tpu.memory_space<vmem>>, %arg21: memref<10000x128xf32, #tpu.memory_space<vmem_shared>>, %arg22: memref<!tpu.dma_semaphore, #tpu.memory_space<semaphore_mem>>, %arg23: memref<!tpu.dma_semaphore, #tpu.memory_space<semaphore_mem>>, %arg24: memref<!tpu.dma_semaphore, #tpu.memory_space<semaphore_mem>>, %arg25: memref<!tpu.dma_semaphore, #tpu.memory_space<semaphore_mem>>, %arg26: memref<!tpu.dma_semaphore, #tpu.memory_space<semaphore_mem>>, %arg27: memref<!tpu.dma_semaphore, #tpu.memory_space<semaphore_mem>>, %arg28: memref<!tpu.dma_semaphore, #tpu.memory_space<semaphore_mem>>, %arg29: memref<!tpu.dma_semaphore, #tpu.memory_space<semaphore_mem>>) attributes {dimension_semantics = [#tpu.dimension_semantics<core_parallel>, #tpu.dimension_semantics<subcore_parallel>], iteration_bounds = array<i64: 2, 16>, scalar_prefetch = 0 : i64, scratch_operands = 21 : i64, tpu.core_type = #tpu.core_type<sc_vector_subcore>, window_params = [{transform_indices = #map}, {transform_indices = #map}, {transform_indices = #map1}, {transform_indices = #map1}, {transform_indices = #map1}, {transform_indices = #map1}, {transform_indices = #map1}]} {
    %mul3A = arith.constant 16 : i32
    %mul3A_0 = arith.muli %arg0, %mul3A : i32
    %add3A = arith.addi %mul3A_0, %arg1 : i32
    %eq3A = arith.constant 0 : i32
    %eq3A_1 = arith.cmpi eq, %arg1, %eq3A : i32
    %convert_element_type3A = arith.extui %eq3A_1 : i1 to i32
    %cond3A = arith.constant 0 : i32
    %cond3A_2 = arith.cmpi ne, %convert_element_type3A, %cond3A : i32
    scf.if %cond3A_2 {
      "tpu.region"() ({
        %run_scoped3A = tpu.sem_alloc : memref<!tpu.dma_semaphore, #tpu.memory_space<semaphore_mem>>
        tpu.enqueue_dma source(%arg6 : memref<10000x128xf32, #tpu.memory_space<hbm>>) target(%arg21 : memref<10000x128xf32, #tpu.memory_space<vmem_shared>>) target_semaphore(%run_scoped3A : memref<!tpu.dma_semaphore, #tpu.memory_space<semaphore_mem>>)
        tpu.wait_dma2 semaphore(%run_scoped3A : memref<!tpu.dma_semaphore, #tpu.memory_space<semaphore_mem>>) src(%arg6 : memref<10000x128xf32, #tpu.memory_space<hbm>>) dst(%arg21 : memref<10000x128xf32, #tpu.memory_space<vmem_shared>>)
        tpu.yield
      }) : () -> ()
    } else {
    }
    %barrier3A = arith.constant 0 : index
    tpu.barrier barrier_id(%barrier3A)
    %dma_start3A = arith.constant 0 : i32
    %dma_start3A_3 = arith.constant 0 : i32
    %dma_start3A_4 = tpu.memref_slice %arg3[%add3A, %dma_start3A, %dma_start3A_3] : memref<32x250x40xi32, #tpu.memory_space<hbm>> -> memref<1x1x40xi32, #tpu.memory_space<hbm>>
    %dma_start3A_5 = tpu.memref_squeeze %dma_start3A_4 : memref<1x1x40xi32, #tpu.memory_space<hbm>> -> memref<1x40xi32, #tpu.memory_space<hbm>>
    %dma_start3A_6 = arith.constant 0 : i32
    %dma_start3A_7 = arith.constant 0 : i32
    %dma_start3A_8 = tpu.memref_slice %arg3[%add3A, %dma_start3A_6, %dma_start3A_7] : memref<32x250x40xi32, #tpu.memory_space<hbm>> -> memref<1x1x40xi32, #tpu.memory_space<hbm>>
    %dma_start3A_9 = tpu.memref_squeeze %dma_start3A_8 : memref<1x1x40xi32, #tpu.memory_space<hbm>> -> memref<1x40xi32, #tpu.memory_space<hbm>>
    tpu.enqueue_dma source(%dma_start3A_9 : memref<1x40xi32, #tpu.memory_space<hbm>>) target(%arg9 : memref<1x40xi32, #tpu.memory_space<vmem>>) target_semaphore(%arg22 : memref<!tpu.dma_semaphore, #tpu.memory_space<semaphore_mem>>)
    %dma_start3A_10 = arith.constant 0 : i32
    %dma_start3A_11 = arith.constant 0 : i32
    %dma_start3A_12 = tpu.memref_slice %arg3[%add3A, %dma_start3A_10, %dma_start3A_11] : memref<32x250x40xi32, #tpu.memory_space<hbm>> -> memref<1x1x40xi32, #tpu.memory_space<hbm>>
    %dma_start3A_13 = tpu.memref_squeeze %dma_start3A_12 : memref<1x1x40xi32, #tpu.memory_space<hbm>> -> memref<1x40xi32, #tpu.memory_space<hbm>>
    %dma_start3A_14 = arith.constant 0 : i32
    %dma_start3A_15 = arith.constant 0 : i32
    %dma_start3A_16 = tpu.memref_slice %arg3[%add3A, %dma_start3A_14, %dma_start3A_15] : memref<32x250x40xi32, #tpu.memory_space<hbm>> -> memref<1x1x40xi32, #tpu.memory_space<hbm>>
    %dma_start3A_17 = tpu.memref_squeeze %dma_start3A_16 : memref<1x1x40xi32, #tpu.memory_space<hbm>> -> memref<1x40xi32, #tpu.memory_space<hbm>>
    tpu.enqueue_dma source(%dma_start3A_17 : memref<1x40xi32, #tpu.memory_space<hbm>>) target(%arg11 : memref<1x40xi32, #tpu.memory_space<vmem>>) target_semaphore(%arg22 : memref<!tpu.dma_semaphore, #tpu.memory_space<semaphore_mem>>)
    %dma_start3A_18 = arith.constant 0 : i32
    %dma_start3A_19 = arith.constant 0 : i32
    %dma_start3A_20 = tpu.memref_slice %arg2[%add3A, %dma_start3A_18, %dma_start3A_19] : memref<32x250x40xi32, #tpu.memory_space<hbm>> -> memref<1x1x40xi32, #tpu.memory_space<hbm>>
    %dma_start3A_21 = tpu.memref_squeeze %dma_start3A_20 : memref<1x1x40xi32, #tpu.memory_space<hbm>> -> memref<1x40xi32, #tpu.memory_space<hbm>>
    %dma_start3A_22 = arith.constant 0 : i32
    %dma_start3A_23 = arith.constant 0 : i32
    %dma_start3A_24 = tpu.memref_slice %arg2[%add3A, %dma_start3A_22, %dma_start3A_23] : memref<32x250x40xi32, #tpu.memory_space<hbm>> -> memref<1x1x40xi32, #tpu.memory_space<hbm>>
    %dma_start3A_25 = tpu.memref_squeeze %dma_start3A_24 : memref<1x1x40xi32, #tpu.memory_space<hbm>> -> memref<1x40xi32, #tpu.memory_space<hbm>>
    tpu.enqueue_dma source(%dma_start3A_25 : memref<1x40xi32, #tpu.memory_space<hbm>>) target(%arg10 : memref<1x40xi32, #tpu.memory_space<vmem>>) target_semaphore(%arg22 : memref<!tpu.dma_semaphore, #tpu.memory_space<semaphore_mem>>)
    %dma_start3A_26 = arith.constant 1 : i32
    %dma_start3A_27 = arith.constant 0 : i32
    %dma_start3A_28 = tpu.memref_slice %arg3[%add3A, %dma_start3A_26, %dma_start3A_27] : memref<32x250x40xi32, #tpu.memory_space<hbm>> -> memref<1x1x40xi32, #tpu.memory_space<hbm>>
    %dma_start3A_29 = tpu.memref_squeeze %dma_start3A_28 : memref<1x1x40xi32, #tpu.memory_space<hbm>> -> memref<1x40xi32, #tpu.memory_space<hbm>>
    %dma_start3A_30 = arith.constant 1 : i32
    %dma_start3A_31 = arith.constant 0 : i32
    %dma_start3A_32 = tpu.memref_slice %arg3[%add3A, %dma_start3A_30, %dma_start3A_31] : memref<32x250x40xi32, #tpu.memory_space<hbm>> -> memref<1x1x40xi32, #tpu.memory_space<hbm>>
    %dma_start3A_33 = tpu.memref_squeeze %dma_start3A_32 : memref<1x1x40xi32, #tpu.memory_space<hbm>> -> memref<1x40xi32, #tpu.memory_space<hbm>>
    tpu.enqueue_dma source(%dma_start3A_33 : memref<1x40xi32, #tpu.memory_space<hbm>>) target(%arg15 : memref<1x40xi32, #tpu.memory_space<vmem>>) target_semaphore(%arg26 : memref<!tpu.dma_semaphore, #tpu.memory_space<semaphore_mem>>)
    %dma_start3A_34 = arith.constant 1 : i32
    %dma_start3A_35 = arith.constant 0 : i32
    %dma_start3A_36 = tpu.memref_slice %arg3[%add3A, %dma_start3A_34, %dma_start3A_35] : memref<32x250x40xi32, #tpu.memory_space<hbm>> -> memref<1x1x40xi32, #tpu.memory_space<hbm>>
    %dma_start3A_37 = tpu.memref_squeeze %dma_start3A_36 : memref<1x1x40xi32, #tpu.memory_space<hbm>> -> memref<1x40xi32, #tpu.memory_space<hbm>>
    %dma_start3A_38 = arith.constant 1 : i32
    %dma_start3A_39 = arith.constant 0 : i32
    %dma_start3A_40 = tpu.memref_slice %arg3[%add3A, %dma_start3A_38, %dma_start3A_39] : memref<32x250x40xi32, #tpu.memory_space<hbm>> -> memref<1x1x40xi32, #tpu.memory_space<hbm>>
    %dma_start3A_41 = tpu.memref_squeeze %dma_start3A_40 : memref<1x1x40xi32, #tpu.memory_space<hbm>> -> memref<1x40xi32, #tpu.memory_space<hbm>>
    tpu.enqueue_dma source(%dma_start3A_41 : memref<1x40xi32, #tpu.memory_space<hbm>>) target(%arg17 : memref<1x40xi32, #tpu.memory_space<vmem>>) target_semaphore(%arg26 : memref<!tpu.dma_semaphore, #tpu.memory_space<semaphore_mem>>)
    %dma_start3A_42 = arith.constant 1 : i32
    %dma_start3A_43 = arith.constant 0 : i32
    %dma_start3A_44 = tpu.memref_slice %arg2[%add3A, %dma_start3A_42, %dma_start3A_43] : memref<32x250x40xi32, #tpu.memory_space<hbm>> -> memref<1x1x40xi32, #tpu.memory_space<hbm>>
    %dma_start3A_45 = tpu.memref_squeeze %dma_start3A_44 : memref<1x1x40xi32, #tpu.memory_space<hbm>> -> memref<1x40xi32, #tpu.memory_space<hbm>>
    %dma_start3A_46 = arith.constant 1 : i32
    %dma_start3A_47 = arith.constant 0 : i32
    %dma_start3A_48 = tpu.memref_slice %arg2[%add3A, %dma_start3A_46, %dma_start3A_47] : memref<32x250x40xi32, #tpu.memory_space<hbm>> -> memref<1x1x40xi32, #tpu.memory_space<hbm>>
    %dma_start3A_49 = tpu.memref_squeeze %dma_start3A_48 : memref<1x1x40xi32, #tpu.memory_space<hbm>> -> memref<1x40xi32, #tpu.memory_space<hbm>>
    tpu.enqueue_dma source(%dma_start3A_49 : memref<1x40xi32, #tpu.memory_space<hbm>>) target(%arg16 : memref<1x40xi32, #tpu.memory_space<vmem>>) target_semaphore(%arg26 : memref<!tpu.dma_semaphore, #tpu.memory_space<semaphore_mem>>)
    %dma_wait3A = arith.constant 0 : i32
    %dma_wait3A_50 = arith.constant 0 : i32
    %dma_wait3A_51 = tpu.memref_slice %arg3[%add3A, %dma_wait3A, %dma_wait3A_50] : memref<32x250x40xi32, #tpu.memory_space<hbm>> -> memref<1x1x40xi32, #tpu.memory_space<hbm>>
    %dma_wait3A_52 = tpu.memref_squeeze %dma_wait3A_51 : memref<1x1x40xi32, #tpu.memory_space<hbm>> -> memref<1x40xi32, #tpu.memory_space<hbm>>
    %dma_wait3A_53 = arith.constant 0 : i32
    %dma_wait3A_54 = arith.constant 0 : i32
    %dma_wait3A_55 = tpu.memref_slice %arg3[%add3A, %dma_wait3A_53, %dma_wait3A_54] : memref<32x250x40xi32, #tpu.memory_space<hbm>> -> memref<1x1x40xi32, #tpu.memory_space<hbm>>
    %dma_wait3A_56 = tpu.memref_squeeze %dma_wait3A_55 : memref<1x1x40xi32, #tpu.memory_space<hbm>> -> memref<1x40xi32, #tpu.memory_space<hbm>>
    tpu.wait_dma2 semaphore(%arg22 : memref<!tpu.dma_semaphore, #tpu.memory_space<semaphore_mem>>) src(%dma_wait3A_56 : memref<1x40xi32, #tpu.memory_space<hbm>>) dst(%arg9 : memref<1x40xi32, #tpu.memory_space<vmem>>)
    %dma_wait3A_57 = arith.constant 0 : i32
    %dma_wait3A_58 = arith.constant 0 : i32
    %dma_wait3A_59 = tpu.memref_slice %arg3[%add3A, %dma_wait3A_57, %dma_wait3A_58] : memref<32x250x40xi32, #tpu.memory_space<hbm>> -> memref<1x1x40xi32, #tpu.memory_space<hbm>>
    %dma_wait3A_60 = tpu.memref_squeeze %dma_wait3A_59 : memref<1x1x40xi32, #tpu.memory_space<hbm>> -> memref<1x40xi32, #tpu.memory_space<hbm>>
    %dma_wait3A_61 = arith.constant 0 : i32
    %dma_wait3A_62 = arith.constant 0 : i32
    %dma_wait3A_63 = tpu.memref_slice %arg3[%add3A, %dma_wait3A_61, %dma_wait3A_62] : memref<32x250x40xi32, #tpu.memory_space<hbm>> -> memref<1x1x40xi32, #tpu.memory_space<hbm>>
    %dma_wait3A_64 = tpu.memref_squeeze %dma_wait3A_63 : memref<1x1x40xi32, #tpu.memory_space<hbm>> -> memref<1x40xi32, #tpu.memory_space<hbm>>
    tpu.wait_dma2 semaphore(%arg22 : memref<!tpu.dma_semaphore, #tpu.memory_space<semaphore_mem>>) src(%dma_wait3A_64 : memref<1x40xi32, #tpu.memory_space<hbm>>) dst(%arg11 : memref<1x40xi32, #tpu.memory_space<vmem>>)
    %dma_wait3A_65 = arith.constant 0 : i32
    %dma_wait3A_66 = arith.constant 0 : i32
    %dma_wait3A_67 = tpu.memref_slice %arg2[%add3A, %dma_wait3A_65, %dma_wait3A_66] : memref<32x250x40xi32, #tpu.memory_space<hbm>> -> memref<1x1x40xi32, #tpu.memory_space<hbm>>
    %dma_wait3A_68 = tpu.memref_squeeze %dma_wait3A_67 : memref<1x1x40xi32, #tpu.memory_space<hbm>> -> memref<1x40xi32, #tpu.memory_space<hbm>>
    %dma_wait3A_69 = arith.constant 0 : i32
    %dma_wait3A_70 = arith.constant 0 : i32
    %dma_wait3A_71 = tpu.memref_slice %arg2[%add3A, %dma_wait3A_69, %dma_wait3A_70] : memref<32x250x40xi32, #tpu.memory_space<hbm>> -> memref<1x1x40xi32, #tpu.memory_space<hbm>>
    %dma_wait3A_72 = tpu.memref_squeeze %dma_wait3A_71 : memref<1x1x40xi32, #tpu.memory_space<hbm>> -> memref<1x40xi32, #tpu.memory_space<hbm>>
    tpu.wait_dma2 semaphore(%arg22 : memref<!tpu.dma_semaphore, #tpu.memory_space<semaphore_mem>>) src(%dma_wait3A_72 : memref<1x40xi32, #tpu.memory_space<hbm>>) dst(%arg10 : memref<1x40xi32, #tpu.memory_space<vmem>>)
    %dma_start3A_73 = arith.constant 0 : i32
    %dma_start3A_74 = arith.constant 0 : i32
    %dma_start3A_75 = tpu.memref_slice %arg9[%dma_start3A_73, %dma_start3A_74] : memref<1x40xi32, #tpu.memory_space<vmem>> -> memref<1x40xi32, #tpu.memory_space<vmem>>
    %dma_start3A_76 = tpu.memref_squeeze %dma_start3A_75 : memref<1x40xi32, #tpu.memory_space<vmem>> -> memref<40xi32, #tpu.memory_space<vmem>>
    %dma_start3A_77 = arith.constant 0 : i32
    %dma_start3A_78 = arith.constant 0 : i32
    %dma_start3A_79 = tpu.memref_slice %arg4[%dma_start3A_77, %dma_start3A_78] : memref<10000x128xf32, #tpu.memory_space<hbm>> -> memref<10000x128xf32, #tpu.memory_space<hbm>>
    tpu.enqueue_indirect_dma source(%dma_start3A_79 : memref<10000x128xf32, #tpu.memory_space<hbm>>) target(%arg12 : memref<40x128xf32, #tpu.memory_space<vmem>>) offsets(%dma_start3A_76 : memref<40xi32, #tpu.memory_space<vmem>>) semaphore(%arg23 : memref<!tpu.dma_semaphore, #tpu.memory_space<semaphore_mem>>)
    %dma_start3A_80 = arith.constant 0 : i32
    %dma_start3A_81 = arith.constant 0 : i32
    %dma_start3A_82 = tpu.memref_slice %arg10[%dma_start3A_80, %dma_start3A_81] : memref<1x40xi32, #tpu.memory_space<vmem>> -> memref<1x40xi32, #tpu.memory_space<vmem>>
    %dma_start3A_83 = tpu.memref_squeeze %dma_start3A_82 : memref<1x40xi32, #tpu.memory_space<vmem>> -> memref<40xi32, #tpu.memory_space<vmem>>
    %dma_start3A_84 = arith.constant 0 : i32
    %dma_start3A_85 = arith.constant 0 : i32
    %dma_start3A_86 = tpu.memref_slice %arg5[%dma_start3A_84, %dma_start3A_85] : memref<10000x128xi32, #tpu.memory_space<hbm>> -> memref<10000x128xi32, #tpu.memory_space<hbm>>
    tpu.enqueue_indirect_dma source(%dma_start3A_86 : memref<10000x128xi32, #tpu.memory_space<hbm>>) target(%arg13 : memref<40x128xi32, #tpu.memory_space<vmem>>) offsets(%dma_start3A_83 : memref<40xi32, #tpu.memory_space<vmem>>) semaphore(%arg24 : memref<!tpu.dma_semaphore, #tpu.memory_space<semaphore_mem>>)
    %scan3A = arith.constant 0 : i32
    %scan3A_87 = arith.constant 0 : i32
    %scan3A_88 = arith.constant 125 : i32
    %scan3A_89 = arith.addi %scan3A_87, %scan3A_88 : i32
    %scan3A_90 = arith.constant 1 : i32
    scf.for %scan3A_119 = %scan3A_87 to %scan3A_89 step %scan3A_90  : i32 {
      %mul3A_120 = arith.constant 2 : i32
      %mul3A_121 = arith.muli %scan3A_119, %mul3A_120 : i32
      %add3A_122 = arith.constant 1 : i32
      %add3A_123 = arith.addi %mul3A_121, %add3A_122 : i32
      %dma_wait3A_124 = arith.constant 0 : i32
      %dma_wait3A_125 = tpu.memref_slice %arg3[%add3A, %add3A_123, %dma_wait3A_124] : memref<32x250x40xi32, #tpu.memory_space<hbm>> -> memref<1x1x40xi32, #tpu.memory_space<hbm>>
      %dma_wait3A_126 = tpu.memref_squeeze %dma_wait3A_125 : memref<1x1x40xi32, #tpu.memory_space<hbm>> -> memref<1x40xi32, #tpu.memory_space<hbm>>
      %dma_wait3A_127 = arith.constant 0 : i32
      %dma_wait3A_128 = tpu.memref_slice %arg3[%add3A, %add3A_123, %dma_wait3A_127] : memref<32x250x40xi32, #tpu.memory_space<hbm>> -> memref<1x1x40xi32, #tpu.memory_space<hbm>>
      %dma_wait3A_129 = tpu.memref_squeeze %dma_wait3A_128 : memref<1x1x40xi32, #tpu.memory_space<hbm>> -> memref<1x40xi32, #tpu.memory_space<hbm>>
      tpu.wait_dma2 semaphore(%arg26 : memref<!tpu.dma_semaphore, #tpu.memory_space<semaphore_mem>>) src(%dma_wait3A_129 : memref<1x40xi32, #tpu.memory_space<hbm>>) dst(%arg15 : memref<1x40xi32, #tpu.memory_space<vmem>>)
      %dma_wait3A_130 = arith.constant 0 : i32
      %dma_wait3A_131 = tpu.memref_slice %arg3[%add3A, %add3A_123, %dma_wait3A_130] : memref<32x250x40xi32, #tpu.memory_space<hbm>> -> memref<1x1x40xi32, #tpu.memory_space<hbm>>
      %dma_wait3A_132 = tpu.memref_squeeze %dma_wait3A_131 : memref<1x1x40xi32, #tpu.memory_space<hbm>> -> memref<1x40xi32, #tpu.memory_space<hbm>>
      %dma_wait3A_133 = arith.constant 0 : i32
      %dma_wait3A_134 = tpu.memref_slice %arg3[%add3A, %add3A_123, %dma_wait3A_133] : memref<32x250x40xi32, #tpu.memory_space<hbm>> -> memref<1x1x40xi32, #tpu.memory_space<hbm>>
      %dma_wait3A_135 = tpu.memref_squeeze %dma_wait3A_134 : memref<1x1x40xi32, #tpu.memory_space<hbm>> -> memref<1x40xi32, #tpu.memory_space<hbm>>
      tpu.wait_dma2 semaphore(%arg26 : memref<!tpu.dma_semaphore, #tpu.memory_space<semaphore_mem>>) src(%dma_wait3A_135 : memref<1x40xi32, #tpu.memory_space<hbm>>) dst(%arg17 : memref<1x40xi32, #tpu.memory_space<vmem>>)
      %dma_wait3A_136 = arith.constant 0 : i32
      %dma_wait3A_137 = tpu.memref_slice %arg2[%add3A, %add3A_123, %dma_wait3A_136] : memref<32x250x40xi32, #tpu.memory_space<hbm>> -> memref<1x1x40xi32, #tpu.memory_space<hbm>>
      %dma_wait3A_138 = tpu.memref_squeeze %dma_wait3A_137 : memref<1x1x40xi32, #tpu.memory_space<hbm>> -> memref<1x40xi32, #tpu.memory_space<hbm>>
      %dma_wait3A_139 = arith.constant 0 : i32
      %dma_wait3A_140 = tpu.memref_slice %arg2[%add3A, %add3A_123, %dma_wait3A_139] : memref<32x250x40xi32, #tpu.memory_space<hbm>> -> memref<1x1x40xi32, #tpu.memory_space<hbm>>
      %dma_wait3A_141 = tpu.memref_squeeze %dma_wait3A_140 : memref<1x1x40xi32, #tpu.memory_space<hbm>> -> memref<1x40xi32, #tpu.memory_space<hbm>>
      tpu.wait_dma2 semaphore(%arg26 : memref<!tpu.dma_semaphore, #tpu.memory_space<semaphore_mem>>) src(%dma_wait3A_141 : memref<1x40xi32, #tpu.memory_space<hbm>>) dst(%arg16 : memref<1x40xi32, #tpu.memory_space<vmem>>)
      %dma_start3A_142 = arith.constant 0 : i32
      %dma_start3A_143 = arith.constant 0 : i32
      %dma_start3A_144 = tpu.memref_slice %arg15[%dma_start3A_142, %dma_start3A_143] : memref<1x40xi32, #tpu.memory_space<vmem>> -> memref<1x40xi32, #tpu.memory_space<vmem>>
      %dma_start3A_145 = tpu.memref_squeeze %dma_start3A_144 : memref<1x40xi32, #tpu.memory_space<vmem>> -> memref<40xi32, #tpu.memory_space<vmem>>
      %dma_start3A_146 = arith.constant 0 : i32
      %dma_start3A_147 = arith.constant 0 : i32
      %dma_start3A_148 = tpu.memref_slice %arg4[%dma_start3A_146, %dma_start3A_147] : memref<10000x128xf32, #tpu.memory_space<hbm>> -> memref<10000x128xf32, #tpu.memory_space<hbm>>
      tpu.enqueue_indirect_dma source(%dma_start3A_148 : memref<10000x128xf32, #tpu.memory_space<hbm>>) target(%arg18 : memref<40x128xf32, #tpu.memory_space<vmem>>) offsets(%dma_start3A_145 : memref<40xi32, #tpu.memory_space<vmem>>) semaphore(%arg27 : memref<!tpu.dma_semaphore, #tpu.memory_space<semaphore_mem>>)
      %dma_start3A_149 = arith.constant 0 : i32
      %dma_start3A_150 = arith.constant 0 : i32
      %dma_start3A_151 = tpu.memref_slice %arg16[%dma_start3A_149, %dma_start3A_150] : memref<1x40xi32, #tpu.memory_space<vmem>> -> memref<1x40xi32, #tpu.memory_space<vmem>>
      %dma_start3A_152 = tpu.memref_squeeze %dma_start3A_151 : memref<1x40xi32, #tpu.memory_space<vmem>> -> memref<40xi32, #tpu.memory_space<vmem>>
      %dma_start3A_153 = arith.constant 0 : i32
      %dma_start3A_154 = arith.constant 0 : i32
      %dma_start3A_155 = tpu.memref_slice %arg5[%dma_start3A_153, %dma_start3A_154] : memref<10000x128xi32, #tpu.memory_space<hbm>> -> memref<10000x128xi32, #tpu.memory_space<hbm>>
      tpu.enqueue_indirect_dma source(%dma_start3A_155 : memref<10000x128xi32, #tpu.memory_space<hbm>>) target(%arg19 : memref<40x128xi32, #tpu.memory_space<vmem>>) offsets(%dma_start3A_152 : memref<40xi32, #tpu.memory_space<vmem>>) semaphore(%arg28 : memref<!tpu.dma_semaphore, #tpu.memory_space<semaphore_mem>>)
      %dma_wait3A_156 = arith.constant 0 : i32
      %dma_wait3A_157 = arith.constant 0 : i32
      %dma_wait3A_158 = tpu.memref_slice %arg9[%dma_wait3A_156, %dma_wait3A_157] : memref<1x40xi32, #tpu.memory_space<vmem>> -> memref<1x40xi32, #tpu.memory_space<vmem>>
      %dma_wait3A_159 = tpu.memref_squeeze %dma_wait3A_158 : memref<1x40xi32, #tpu.memory_space<vmem>> -> memref<40xi32, #tpu.memory_space<vmem>>
      %dma_wait3A_160 = arith.constant 0 : i32
      %dma_wait3A_161 = arith.constant 0 : i32
      %dma_wait3A_162 = tpu.memref_slice %arg4[%dma_wait3A_160, %dma_wait3A_161] : memref<10000x128xf32, #tpu.memory_space<hbm>> -> memref<10000x128xf32, #tpu.memory_space<hbm>>
      tpu.wait_indirect_dma semaphore(%arg23 : memref<!tpu.dma_semaphore, #tpu.memory_space<semaphore_mem>>) src(%dma_wait3A_162 : memref<10000x128xf32, #tpu.memory_space<hbm>>) dst(%arg12 : memref<40x128xf32, #tpu.memory_space<vmem>>)
      %dma_wait3A_163 = arith.constant 0 : i32
      %dma_wait3A_164 = arith.constant 0 : i32
      %dma_wait3A_165 = tpu.memref_slice %arg10[%dma_wait3A_163, %dma_wait3A_164] : memref<1x40xi32, #tpu.memory_space<vmem>> -> memref<1x40xi32, #tpu.memory_space<vmem>>
      %dma_wait3A_166 = tpu.memref_squeeze %dma_wait3A_165 : memref<1x40xi32, #tpu.memory_space<vmem>> -> memref<40xi32, #tpu.memory_space<vmem>>
      %dma_wait3A_167 = arith.constant 0 : i32
      %dma_wait3A_168 = arith.constant 0 : i32
      %dma_wait3A_169 = tpu.memref_slice %arg5[%dma_wait3A_167, %dma_wait3A_168] : memref<10000x128xi32, #tpu.memory_space<hbm>> -> memref<10000x128xi32, #tpu.memory_space<hbm>>
      tpu.wait_indirect_dma semaphore(%arg24 : memref<!tpu.dma_semaphore, #tpu.memory_space<semaphore_mem>>) src(%dma_wait3A_169 : memref<10000x128xi32, #tpu.memory_space<hbm>>) dst(%arg13 : memref<40x128xi32, #tpu.memory_space<vmem>>)
      %ge3A = arith.constant 2 : i32
      %ge3A_170 = arith.cmpi sge, %mul3A_121, %ge3A : i32
      %convert_element_type3A_171 = arith.extui %ge3A_170 : i1 to i32
      %cond3A_172 = arith.constant 0 : i32
      %cond3A_173 = arith.cmpi ne, %convert_element_type3A_171, %cond3A_172 : i32
      scf.if %cond3A_173 {
        %dma_wait3A_250 = arith.constant 0 : i32
        %dma_wait3A_251 = arith.constant 0 : i32
        %dma_wait3A_252 = tpu.memref_slice %arg11[%dma_wait3A_250, %dma_wait3A_251] : memref<1x40xi32, #tpu.memory_space<vmem>> -> memref<1x40xi32, #tpu.memory_space<vmem>>
        %dma_wait3A_253 = tpu.memref_squeeze %dma_wait3A_252 : memref<1x40xi32, #tpu.memory_space<vmem>> -> memref<40xi32, #tpu.memory_space<vmem>>
        %dma_wait3A_254 = arith.constant 0 : i32
        %dma_wait3A_255 = arith.constant 0 : i32
        %dma_wait3A_256 = tpu.memref_slice %arg21[%dma_wait3A_254, %dma_wait3A_255] : memref<10000x128xf32, #tpu.memory_space<vmem_shared>> -> memref<10000x128xf32, #tpu.memory_space<vmem_shared>>
        tpu.wait_indirect_dma semaphore(%arg25 : memref<!tpu.dma_semaphore, #tpu.memory_space<semaphore_mem>>) src(%arg14 : memref<40x128xf32, #tpu.memory_space<vmem>>) dst(%dma_wait3A_256 : memref<10000x128xf32, #tpu.memory_space<vmem_shared>>)
      } else {
      }
      %broadcast_in_dim3A = arith.constant -65536 : i32
      %broadcast_in_dim3A_174 = vector.broadcast %broadcast_in_dim3A : i32 to vector<16xi32>
      %broadcast_in_dim3A_175 = arith.constant 16 : i32
      %broadcast_in_dim3A_176 = vector.broadcast %broadcast_in_dim3A_175 : i32 to vector<16xi32>
      %broadcast_in_dim3A_177 = arith.constant 1.000000e+00 : f32
      %broadcast_in_dim3A_178 = vector.broadcast %broadcast_in_dim3A_177 : f32 to vector<16xf32>
      %scan3A_179 = arith.constant 0 : i32
      %scan3A_180 = arith.constant 0 : i32
      %scan3A_181 = arith.constant 40 : i32
      %scan3A_182 = arith.addi %scan3A_180, %scan3A_181 : i32
      %scan3A_183 = arith.constant 1 : i32
      scf.for %scan3A_250 = %scan3A_180 to %scan3A_182 step %scan3A_183  : i32 {
        %get3A = arith.index_cast %scan3A_250 : i32 to index
        %get3A_251 = arith.constant 0 : index
        %get3A_252 = tpu.vector_load %arg13[%get3A, %get3A_251] {strides = array<i32>} : memref<40x128xi32, #tpu.memory_space<vmem>>, vector<1x16xi32>,
        %get3A_253 = vector.shape_cast %get3A_252 : vector<1x16xi32> to vector<16xi32>
        %shift_left3A = arith.shli %get3A_253, %broadcast_in_dim3A_176 : vector<16xi32>
        %bitcast_convert_type3A = tpu.bitcast %shift_left3A : vector<16xi32> -> vector<16xf32>
        %and3A = arith.andi %get3A_253, %broadcast_in_dim3A_174 : vector<16xi32>
        %bitcast_convert_type3A_254 = tpu.bitcast %and3A : vector<16xi32> -> vector<16xf32>
        %get3A_255 = arith.index_cast %scan3A_250 : i32 to index
        %get3A_256 = arith.constant 64 : index
        %get3A_257 = tpu.vector_load %arg13[%get3A_255, %get3A_256] {strides = array<i32>} : memref<40x128xi32, #tpu.memory_space<vmem>>, vector<1x16xi32>,
        %get3A_258 = vector.shape_cast %get3A_257 : vector<1x16xi32> to vector<16xi32>
        %shift_left3A_259 = arith.shli %get3A_258, %broadcast_in_dim3A_176 : vector<16xi32>
        %bitcast_convert_type3A_260 = tpu.bitcast %shift_left3A_259 : vector<16xi32> -> vector<16xf32>
        %and3A_261 = arith.andi %get3A_258, %broadcast_in_dim3A_174 : vector<16xi32>
        %bitcast_convert_type3A_262 = tpu.bitcast %and3A_261 : vector<16xi32> -> vector<16xf32>
        %get3A_263 = arith.index_cast %scan3A_250 : i32 to index
        %get3A_264 = arith.constant 0 : index
        %get3A_265 = tpu.vector_load %arg12[%get3A_263, %get3A_264] {strides = array<i32>} : memref<40x128xf32, #tpu.memory_space<vmem>>, vector<1x16xf32>,
        %get3A_266 = vector.shape_cast %get3A_265 : vector<1x16xf32> to vector<16xf32>
        %get3A_267 = arith.index_cast %scan3A_250 : i32 to index
        %get3A_268 = arith.constant 16 : index
        %get3A_269 = tpu.vector_load %arg12[%get3A_267, %get3A_268] {strides = array<i32>} : memref<40x128xf32, #tpu.memory_space<vmem>>, vector<1x16xf32>,
        %get3A_270 = vector.shape_cast %get3A_269 : vector<1x16xf32> to vector<16xf32>
        %sub3A = arith.subf %get3A_266, %bitcast_convert_type3A : vector<16xf32>
        %exp3A = math.exp %sub3A : vector<16xf32>
        %add3A_271 = arith.addf %broadcast_in_dim3A_178, %exp3A : vector<16xf32>
        %div3A = arith.divf %bitcast_convert_type3A_260, %add3A_271 : vector<16xf32>
        %swap3A = arith.index_cast %scan3A_250 : i32 to index
        %swap3A_272 = arith.constant 0 : index
        %swap3A_273 = tpu.vector_load %arg14[%swap3A, %swap3A_272] {strides = array<i32>} : memref<40x128xf32, #tpu.memory_space<vmem>>, vector<1x16xf32>,
        %swap3A_274 = vector.shape_cast %swap3A_273 : vector<1x16xf32> to vector<16xf32>
        %swap3A_275 = vector.shape_cast %div3A : vector<16xf32> to vector<1x16xf32>
        tpu.vector_store %arg14[%swap3A, %swap3A_272], %swap3A_275 {strides = array<i32>} : memref<40x128xf32, #tpu.memory_space<vmem>>, vector<1x16xf32>,
        %sub3A_276 = arith.subf %get3A_270, %bitcast_convert_type3A_254 : vector<16xf32>
        %exp3A_277 = math.exp %sub3A_276 : vector<16xf32>
        %add3A_278 = arith.addf %broadcast_in_dim3A_178, %exp3A_277 : vector<16xf32>
        %div3A_279 = arith.divf %bitcast_convert_type3A_262, %add3A_278 : vector<16xf32>
        %swap3A_280 = arith.index_cast %scan3A_250 : i32 to index
        %swap3A_281 = arith.constant 16 : index
        %swap3A_282 = tpu.vector_load %arg14[%swap3A_280, %swap3A_281] {strides = array<i32>} : memref<40x128xf32, #tpu.memory_space<vmem>>, vector<1x16xf32>,
        %swap3A_283 = vector.shape_cast %swap3A_282 : vector<1x16xf32> to vector<16xf32>
        %swap3A_284 = vector.shape_cast %div3A_279 : vector<16xf32> to vector<1x16xf32>
        tpu.vector_store %arg14[%swap3A_280, %swap3A_281], %swap3A_284 {strides = array<i32>} : memref<40x128xf32, #tpu.memory_space<vmem>>, vector<1x16xf32>,
        %get3A_285 = arith.index_cast %scan3A_250 : i32 to index
        %get3A_286 = arith.constant 16 : index
        %get3A_287 = tpu.vector_load %arg13[%get3A_285, %get3A_286] {strides = array<i32>} : memref<40x128xi32, #tpu.memory_space<vmem>>, vector<1x16xi32>,
        %get3A_288 = vector.shape_cast %get3A_287 : vector<1x16xi32> to vector<16xi32>
        %shift_left3A_289 = arith.shli %get3A_288, %broadcast_in_dim3A_176 : vector<16xi32>
        %bitcast_convert_type3A_290 = tpu.bitcast %shift_left3A_289 : vector<16xi32> -> vector<16xf32>
        %and3A_291 = arith.andi %get3A_288, %broadcast_in_dim3A_174 : vector<16xi32>
        %bitcast_convert_type3A_292 = tpu.bitcast %and3A_291 : vector<16xi32> -> vector<16xf32>
        %get3A_293 = arith.index_cast %scan3A_250 : i32 to index
        %get3A_294 = arith.constant 80 : index
        %get3A_295 = tpu.vector_load %arg13[%get3A_293, %get3A_294] {strides = array<i32>} : memref<40x128xi32, #tpu.memory_space<vmem>>, vector<1x16xi32>,
        %get3A_296 = vector.shape_cast %get3A_295 : vector<1x16xi32> to vector<16xi32>
        %shift_left3A_297 = arith.shli %get3A_296, %broadcast_in_dim3A_176 : vector<16xi32>
        %bitcast_convert_type3A_298 = tpu.bitcast %shift_left3A_297 : vector<16xi32> -> vector<16xf32>
        %and3A_299 = arith.andi %get3A_296, %broadcast_in_dim3A_174 : vector<16xi32>
        %bitcast_convert_type3A_300 = tpu.bitcast %and3A_299 : vector<16xi32> -> vector<16xf32>
        %get3A_301 = arith.index_cast %scan3A_250 : i32 to index
        %get3A_302 = arith.constant 32 : index
        %get3A_303 = tpu.vector_load %arg12[%get3A_301, %get3A_302] {strides = array<i32>} : memref<40x128xf32, #tpu.memory_space<vmem>>, vector<1x16xf32>,
        %get3A_304 = vector.shape_cast %get3A_303 : vector<1x16xf32> to vector<16xf32>
        %get3A_305 = arith.index_cast %scan3A_250 : i32 to index
        %get3A_306 = arith.constant 48 : index
        %get3A_307 = tpu.vector_load %arg12[%get3A_305, %get3A_306] {strides = array<i32>} : memref<40x128xf32, #tpu.memory_space<vmem>>, vector<1x16xf32>,
        %get3A_308 = vector.shape_cast %get3A_307 : vector<1x16xf32> to vector<16xf32>
        %sub3A_309 = arith.subf %get3A_304, %bitcast_convert_type3A_290 : vector<16xf32>
        %exp3A_310 = math.exp %sub3A_309 : vector<16xf32>
        %add3A_311 = arith.addf %broadcast_in_dim3A_178, %exp3A_310 : vector<16xf32>
        %div3A_312 = arith.divf %bitcast_convert_type3A_298, %add3A_311 : vector<16xf32>
        %swap3A_313 = arith.index_cast %scan3A_250 : i32 to index
        %swap3A_314 = arith.constant 32 : index
        %swap3A_315 = tpu.vector_load %arg14[%swap3A_313, %swap3A_314] {strides = array<i32>} : memref<40x128xf32, #tpu.memory_space<vmem>>, vector<1x16xf32>,
        %swap3A_316 = vector.shape_cast %swap3A_315 : vector<1x16xf32> to vector<16xf32>
        %swap3A_317 = vector.shape_cast %div3A_312 : vector<16xf32> to vector<1x16xf32>
        tpu.vector_store %arg14[%swap3A_313, %swap3A_314], %swap3A_317 {strides = array<i32>} : memref<40x128xf32, #tpu.memory_space<vmem>>, vector<1x16xf32>,
        %sub3A_318 = arith.subf %get3A_308, %bitcast_convert_type3A_292 : vector<16xf32>
        %exp3A_319 = math.exp %sub3A_318 : vector<16xf32>
        %add3A_320 = arith.addf %broadcast_in_dim3A_178, %exp3A_319 : vector<16xf32>
        %div3A_321 = arith.divf %bitcast_convert_type3A_300, %add3A_320 : vector<16xf32>
        %swap3A_322 = arith.index_cast %scan3A_250 : i32 to index
        %swap3A_323 = arith.constant 48 : index
        %swap3A_324 = tpu.vector_load %arg14[%swap3A_322, %swap3A_323] {strides = array<i32>} : memref<40x128xf32, #tpu.memory_space<vmem>>, vector<1x16xf32>,
        %swap3A_325 = vector.shape_cast %swap3A_324 : vector<1x16xf32> to vector<16xf32>
        %swap3A_326 = vector.shape_cast %div3A_321 : vector<16xf32> to vector<1x16xf32>
        tpu.vector_store %arg14[%swap3A_322, %swap3A_323], %swap3A_326 {strides = array<i32>} : memref<40x128xf32, #tpu.memory_space<vmem>>, vector<1x16xf32>,
        %get3A_327 = arith.index_cast %scan3A_250 : i32 to index
        %get3A_328 = arith.constant 32 : index
        %get3A_329 = tpu.vector_load %arg13[%get3A_327, %get3A_328] {strides = array<i32>} : memref<40x128xi32, #tpu.memory_space<vmem>>, vector<1x16xi32>,
        %get3A_330 = vector.shape_cast %get3A_329 : vector<1x16xi32> to vector<16xi32>
        %shift_left3A_331 = arith.shli %get3A_330, %broadcast_in_dim3A_176 : vector<16xi32>
        %bitcast_convert_type3A_332 = tpu.bitcast %shift_left3A_331 : vector<16xi32> -> vector<16xf32>
        %and3A_333 = arith.andi %get3A_330, %broadcast_in_dim3A_174 : vector<16xi32>
        %bitcast_convert_type3A_334 = tpu.bitcast %and3A_333 : vector<16xi32> -> vector<16xf32>
        %get3A_335 = arith.index_cast %scan3A_250 : i32 to index
        %get3A_336 = arith.constant 96 : index
        %get3A_337 = tpu.vector_load %arg13[%get3A_335, %get3A_336] {strides = array<i32>} : memref<40x128xi32, #tpu.memory_space<vmem>>, vector<1x16xi32>,
        %get3A_338 = vector.shape_cast %get3A_337 : vector<1x16xi32> to vector<16xi32>
        %shift_left3A_339 = arith.shli %get3A_338, %broadcast_in_dim3A_176 : vector<16xi32>
        %bitcast_convert_type3A_340 = tpu.bitcast %shift_left3A_339 : vector<16xi32> -> vector<16xf32>
        %and3A_341 = arith.andi %get3A_338, %broadcast_in_dim3A_174 : vector<16xi32>
        %bitcast_convert_type3A_342 = tpu.bitcast %and3A_341 : vector<16xi32> -> vector<16xf32>
        %get3A_343 = arith.index_cast %scan3A_250 : i32 to index
        %get3A_344 = arith.constant 64 : index
        %get3A_345 = tpu.vector_load %arg12[%get3A_343, %get3A_344] {strides = array<i32>} : memref<40x128xf32, #tpu.memory_space<vmem>>, vector<1x16xf32>,
        %get3A_346 = vector.shape_cast %get3A_345 : vector<1x16xf32> to vector<16xf32>
        %get3A_347 = arith.index_cast %scan3A_250 : i32 to index
        %get3A_348 = arith.constant 80 : index
        %get3A_349 = tpu.vector_load %arg12[%get3A_347, %get3A_348] {strides = array<i32>} : memref<40x128xf32, #tpu.memory_space<vmem>>, vector<1x16xf32>,
        %get3A_350 = vector.shape_cast %get3A_349 : vector<1x16xf32> to vector<16xf32>
        %sub3A_351 = arith.subf %get3A_346, %bitcast_convert_type3A_332 : vector<16xf32>
        %exp3A_352 = math.exp %sub3A_351 : vector<16xf32>
        %add3A_353 = arith.addf %broadcast_in_dim3A_178, %exp3A_352 : vector<16xf32>
        %div3A_354 = arith.divf %bitcast_convert_type3A_340, %add3A_353 : vector<16xf32>
        %swap3A_355 = arith.index_cast %scan3A_250 : i32 to index
        %swap3A_356 = arith.constant 64 : index
        %swap3A_357 = tpu.vector_load %arg14[%swap3A_355, %swap3A_356] {strides = array<i32>} : memref<40x128xf32, #tpu.memory_space<vmem>>, vector<1x16xf32>,
        %swap3A_358 = vector.shape_cast %swap3A_357 : vector<1x16xf32> to vector<16xf32>
        %swap3A_359 = vector.shape_cast %div3A_354 : vector<16xf32> to vector<1x16xf32>
        tpu.vector_store %arg14[%swap3A_355, %swap3A_356], %swap3A_359 {strides = array<i32>} : memref<40x128xf32, #tpu.memory_space<vmem>>, vector<1x16xf32>,
        %sub3A_360 = arith.subf %get3A_350, %bitcast_convert_type3A_334 : vector<16xf32>
        %exp3A_361 = math.exp %sub3A_360 : vector<16xf32>
        %add3A_362 = arith.addf %broadcast_in_dim3A_178, %exp3A_361 : vector<16xf32>
        %div3A_363 = arith.divf %bitcast_convert_type3A_342, %add3A_362 : vector<16xf32>
        %swap3A_364 = arith.index_cast %scan3A_250 : i32 to index
        %swap3A_365 = arith.constant 80 : index
        %swap3A_366 = tpu.vector_load %arg14[%swap3A_364, %swap3A_365] {strides = array<i32>} : memref<40x128xf32, #tpu.memory_space<vmem>>, vector<1x16xf32>,
        %swap3A_367 = vector.shape_cast %swap3A_366 : vector<1x16xf32> to vector<16xf32>
        %swap3A_368 = vector.shape_cast %div3A_363 : vector<16xf32> to vector<1x16xf32>
        tpu.vector_store %arg14[%swap3A_364, %swap3A_365], %swap3A_368 {strides = array<i32>} : memref<40x128xf32, #tpu.memory_space<vmem>>, vector<1x16xf32>,
        %get3A_369 = arith.index_cast %scan3A_250 : i32 to index
        %get3A_370 = arith.constant 48 : index
        %get3A_371 = tpu.vector_load %arg13[%get3A_369, %get3A_370] {strides = array<i32>} : memref<40x128xi32, #tpu.memory_space<vmem>>, vector<1x16xi32>,
        %get3A_372 = vector.shape_cast %get3A_371 : vector<1x16xi32> to vector<16xi32>
        %shift_left3A_373 = arith.shli %get3A_372, %broadcast_in_dim3A_176 : vector<16xi32>
        %bitcast_convert_type3A_374 = tpu.bitcast %shift_left3A_373 : vector<16xi32> -> vector<16xf32>
        %and3A_375 = arith.andi %get3A_372, %broadcast_in_dim3A_174 : vector<16xi32>
        %bitcast_convert_type3A_376 = tpu.bitcast %and3A_375 : vector<16xi32> -> vector<16xf32>
        %get3A_377 = arith.index_cast %scan3A_250 : i32 to index
        %get3A_378 = arith.constant 112 : index
        %get3A_379 = tpu.vector_load %arg13[%get3A_377, %get3A_378] {strides = array<i32>} : memref<40x128xi32, #tpu.memory_space<vmem>>, vector<1x16xi32>,
        %get3A_380 = vector.shape_cast %get3A_379 : vector<1x16xi32> to vector<16xi32>
        %shift_left3A_381 = arith.shli %get3A_380, %broadcast_in_dim3A_176 : vector<16xi32>
        %bitcast_convert_type3A_382 = tpu.bitcast %shift_left3A_381 : vector<16xi32> -> vector<16xf32>
        %and3A_383 = arith.andi %get3A_380, %broadcast_in_dim3A_174 : vector<16xi32>
        %bitcast_convert_type3A_384 = tpu.bitcast %and3A_383 : vector<16xi32> -> vector<16xf32>
        %get3A_385 = arith.index_cast %scan3A_250 : i32 to index
        %get3A_386 = arith.constant 96 : index
        %get3A_387 = tpu.vector_load %arg12[%get3A_385, %get3A_386] {strides = array<i32>} : memref<40x128xf32, #tpu.memory_space<vmem>>, vector<1x16xf32>,
        %get3A_388 = vector.shape_cast %get3A_387 : vector<1x16xf32> to vector<16xf32>
        %get3A_389 = arith.index_cast %scan3A_250 : i32 to index
        %get3A_390 = arith.constant 112 : index
        %get3A_391 = tpu.vector_load %arg12[%get3A_389, %get3A_390] {strides = array<i32>} : memref<40x128xf32, #tpu.memory_space<vmem>>, vector<1x16xf32>,
        %get3A_392 = vector.shape_cast %get3A_391 : vector<1x16xf32> to vector<16xf32>
        %sub3A_393 = arith.subf %get3A_388, %bitcast_convert_type3A_374 : vector<16xf32>
        %exp3A_394 = math.exp %sub3A_393 : vector<16xf32>
        %add3A_395 = arith.addf %broadcast_in_dim3A_178, %exp3A_394 : vector<16xf32>
        %div3A_396 = arith.divf %bitcast_convert_type3A_382, %add3A_395 : vector<16xf32>
        %swap3A_397 = arith.index_cast %scan3A_250 : i32 to index
        %swap3A_398 = arith.constant 96 : index
        %swap3A_399 = tpu.vector_load %arg14[%swap3A_397, %swap3A_398] {strides = array<i32>} : memref<40x128xf32, #tpu.memory_space<vmem>>, vector<1x16xf32>,
        %swap3A_400 = vector.shape_cast %swap3A_399 : vector<1x16xf32> to vector<16xf32>
        %swap3A_401 = vector.shape_cast %div3A_396 : vector<16xf32> to vector<1x16xf32>
        tpu.vector_store %arg14[%swap3A_397, %swap3A_398], %swap3A_401 {strides = array<i32>} : memref<40x128xf32, #tpu.memory_space<vmem>>, vector<1x16xf32>,
        %sub3A_402 = arith.subf %get3A_392, %bitcast_convert_type3A_376 : vector<16xf32>
        %exp3A_403 = math.exp %sub3A_402 : vector<16xf32>
        %add3A_404 = arith.addf %broadcast_in_dim3A_178, %exp3A_403 : vector<16xf32>
        %div3A_405 = arith.divf %bitcast_convert_type3A_384, %add3A_404 : vector<16xf32>
        %swap3A_406 = arith.index_cast %scan3A_250 : i32 to index
        %swap3A_407 = arith.constant 112 : index
        %swap3A_408 = tpu.vector_load %arg14[%swap3A_406, %swap3A_407] {strides = array<i32>} : memref<40x128xf32, #tpu.memory_space<vmem>>, vector<1x16xf32>,
        %swap3A_409 = vector.shape_cast %swap3A_408 : vector<1x16xf32> to vector<16xf32>
        %swap3A_410 = vector.shape_cast %div3A_405 : vector<16xf32> to vector<1x16xf32>
        tpu.vector_store %arg14[%swap3A_406, %swap3A_407], %swap3A_410 {strides = array<i32>} : memref<40x128xf32, #tpu.memory_space<vmem>>, vector<1x16xf32>,
      }
      %scan3A_184 = arith.constant 40 : i32
      %dma_start3A_185 = arith.constant 0 : i32
      %dma_start3A_186 = arith.constant 0 : i32
      %dma_start3A_187 = tpu.memref_slice %arg11[%dma_start3A_185, %dma_start3A_186] : memref<1x40xi32, #tpu.memory_space<vmem>> -> memref<1x40xi32, #tpu.memory_space<vmem>>
      %dma_start3A_188 = tpu.memref_squeeze %dma_start3A_187 : memref<1x40xi32, #tpu.memory_space<vmem>> -> memref<40xi32, #tpu.memory_space<vmem>>
      %dma_start3A_189 = arith.constant 0 : i32
      %dma_start3A_190 = arith.constant 0 : i32
      %dma_start3A_191 = tpu.memref_slice %arg21[%dma_start3A_189, %dma_start3A_190] : memref<10000x128xf32, #tpu.memory_space<vmem_shared>> -> memref<10000x128xf32, #tpu.memory_space<vmem_shared>>
      tpu.enqueue_indirect_dma source(%arg14 : memref<40x128xf32, #tpu.memory_space<vmem>>) target(%dma_start3A_191 : memref<10000x128xf32, #tpu.memory_space<vmem_shared>>) offsets(%dma_start3A_188 : memref<40xi32, #tpu.memory_space<vmem>>) semaphore(%arg25 : memref<!tpu.dma_semaphore, #tpu.memory_space<semaphore_mem>>) {add = true}
      %add3A_192 = arith.constant 2 : i32
      %add3A_193 = arith.addi %mul3A_121, %add3A_192 : i32
      %lt3A = arith.constant 250 : i32
      %lt3A_194 = arith.cmpi slt, %add3A_193, %lt3A : i32
      %convert_element_type3A_195 = arith.extui %lt3A_194 : i1 to i32
      %cond3A_196 = arith.constant 0 : i32
      %cond3A_197 = arith.cmpi ne, %convert_element_type3A_195, %cond3A_196 : i32
      scf.if %cond3A_197 {
        %add3A_250 = arith.constant 2 : i32
        %add3A_251 = arith.addi %mul3A_121, %add3A_250 : i32
        %dma_start3A_252 = arith.constant 0 : i32
        %dma_start3A_253 = tpu.memref_slice %arg3[%add3A, %add3A_251, %dma_start3A_252] : memref<32x250x40xi32, #tpu.memory_space<hbm>> -> memref<1x1x40xi32, #tpu.memory_space<hbm>>
        %dma_start3A_254 = tpu.memref_squeeze %dma_start3A_253 : memref<1x1x40xi32, #tpu.memory_space<hbm>> -> memref<1x40xi32, #tpu.memory_space<hbm>>
        %dma_start3A_255 = arith.constant 0 : i32
        %dma_start3A_256 = tpu.memref_slice %arg3[%add3A, %add3A_251, %dma_start3A_255] : memref<32x250x40xi32, #tpu.memory_space<hbm>> -> memref<1x1x40xi32, #tpu.memory_space<hbm>>
        %dma_start3A_257 = tpu.memref_squeeze %dma_start3A_256 : memref<1x1x40xi32, #tpu.memory_space<hbm>> -> memref<1x40xi32, #tpu.memory_space<hbm>>
        tpu.enqueue_dma source(%dma_start3A_257 : memref<1x40xi32, #tpu.memory_space<hbm>>) target(%arg9 : memref<1x40xi32, #tpu.memory_space<vmem>>) target_semaphore(%arg22 : memref<!tpu.dma_semaphore, #tpu.memory_space<semaphore_mem>>)
        %dma_start3A_258 = arith.constant 0 : i32
        %dma_start3A_259 = tpu.memref_slice %arg3[%add3A, %add3A_251, %dma_start3A_258] : memref<32x250x40xi32, #tpu.memory_space<hbm>> -> memref<1x1x40xi32, #tpu.memory_space<hbm>>
        %dma_start3A_260 = tpu.memref_squeeze %dma_start3A_259 : memref<1x1x40xi32, #tpu.memory_space<hbm>> -> memref<1x40xi32, #tpu.memory_space<hbm>>
        %dma_start3A_261 = arith.constant 0 : i32
        %dma_start3A_262 = tpu.memref_slice %arg3[%add3A, %add3A_251, %dma_start3A_261] : memref<32x250x40xi32, #tpu.memory_space<hbm>> -> memref<1x1x40xi32, #tpu.memory_space<hbm>>
        %dma_start3A_263 = tpu.memref_squeeze %dma_start3A_262 : memref<1x1x40xi32, #tpu.memory_space<hbm>> -> memref<1x40xi32, #tpu.memory_space<hbm>>
        tpu.enqueue_dma source(%dma_start3A_263 : memref<1x40xi32, #tpu.memory_space<hbm>>) target(%arg11 : memref<1x40xi32, #tpu.memory_space<vmem>>) target_semaphore(%arg22 : memref<!tpu.dma_semaphore, #tpu.memory_space<semaphore_mem>>)
        %dma_start3A_264 = arith.constant 0 : i32
        %dma_start3A_265 = tpu.memref_slice %arg2[%add3A, %add3A_251, %dma_start3A_264] : memref<32x250x40xi32, #tpu.memory_space<hbm>> -> memref<1x1x40xi32, #tpu.memory_space<hbm>>
        %dma_start3A_266 = tpu.memref_squeeze %dma_start3A_265 : memref<1x1x40xi32, #tpu.memory_space<hbm>> -> memref<1x40xi32, #tpu.memory_space<hbm>>
        %dma_start3A_267 = arith.constant 0 : i32
        %dma_start3A_268 = tpu.memref_slice %arg2[%add3A, %add3A_251, %dma_start3A_267] : memref<32x250x40xi32, #tpu.memory_space<hbm>> -> memref<1x1x40xi32, #tpu.memory_space<hbm>>
        %dma_start3A_269 = tpu.memref_squeeze %dma_start3A_268 : memref<1x1x40xi32, #tpu.memory_space<hbm>> -> memref<1x40xi32, #tpu.memory_space<hbm>>
        tpu.enqueue_dma source(%dma_start3A_269 : memref<1x40xi32, #tpu.memory_space<hbm>>) target(%arg10 : memref<1x40xi32, #tpu.memory_space<vmem>>) target_semaphore(%arg22 : memref<!tpu.dma_semaphore, #tpu.memory_space<semaphore_mem>>)
      } else {
      }
      %add3A_198 = arith.constant 1 : i32
      %add3A_199 = arith.addi %add3A_123, %add3A_198 : i32
      %lt3A_200 = arith.constant 250 : i32
      %lt3A_201 = arith.cmpi slt, %add3A_199, %lt3A_200 : i32
      %convert_element_type3A_202 = arith.extui %lt3A_201 : i1 to i32
      %cond3A_203 = arith.constant 0 : i32
      %cond3A_204 = arith.cmpi ne, %convert_element_type3A_202, %cond3A_203 : i32
      scf.if %cond3A_204 {
        %add3A_250 = arith.constant 1 : i32
        %add3A_251 = arith.addi %add3A_123, %add3A_250 : i32
        %dma_wait3A_252 = arith.constant 0 : i32
        %dma_wait3A_253 = tpu.memref_slice %arg3[%add3A, %add3A_251, %dma_wait3A_252] : memref<32x250x40xi32, #tpu.memory_space<hbm>> -> memref<1x1x40xi32, #tpu.memory_space<hbm>>
        %dma_wait3A_254 = tpu.memref_squeeze %dma_wait3A_253 : memref<1x1x40xi32, #tpu.memory_space<hbm>> -> memref<1x40xi32, #tpu.memory_space<hbm>>
        %dma_wait3A_255 = arith.constant 0 : i32
        %dma_wait3A_256 = tpu.memref_slice %arg3[%add3A, %add3A_251, %dma_wait3A_255] : memref<32x250x40xi32, #tpu.memory_space<hbm>> -> memref<1x1x40xi32, #tpu.memory_space<hbm>>
        %dma_wait3A_257 = tpu.memref_squeeze %dma_wait3A_256 : memref<1x1x40xi32, #tpu.memory_space<hbm>> -> memref<1x40xi32, #tpu.memory_space<hbm>>
        tpu.wait_dma2 semaphore(%arg22 : memref<!tpu.dma_semaphore, #tpu.memory_space<semaphore_mem>>) src(%dma_wait3A_257 : memref<1x40xi32, #tpu.memory_space<hbm>>) dst(%arg9 : memref<1x40xi32, #tpu.memory_space<vmem>>)
        %dma_wait3A_258 = arith.constant 0 : i32
        %dma_wait3A_259 = tpu.memref_slice %arg3[%add3A, %add3A_251, %dma_wait3A_258] : memref<32x250x40xi32, #tpu.memory_space<hbm>> -> memref<1x1x40xi32, #tpu.memory_space<hbm>>
        %dma_wait3A_260 = tpu.memref_squeeze %dma_wait3A_259 : memref<1x1x40xi32, #tpu.memory_space<hbm>> -> memref<1x40xi32, #tpu.memory_space<hbm>>
        %dma_wait3A_261 = arith.constant 0 : i32
        %dma_wait3A_262 = tpu.memref_slice %arg3[%add3A, %add3A_251, %dma_wait3A_261] : memref<32x250x40xi32, #tpu.memory_space<hbm>> -> memref<1x1x40xi32, #tpu.memory_space<hbm>>
        %dma_wait3A_263 = tpu.memref_squeeze %dma_wait3A_262 : memref<1x1x40xi32, #tpu.memory_space<hbm>> -> memref<1x40xi32, #tpu.memory_space<hbm>>
        tpu.wait_dma2 semaphore(%arg22 : memref<!tpu.dma_semaphore, #tpu.memory_space<semaphore_mem>>) src(%dma_wait3A_263 : memref<1x40xi32, #tpu.memory_space<hbm>>) dst(%arg11 : memref<1x40xi32, #tpu.memory_space<vmem>>)
        %dma_wait3A_264 = arith.constant 0 : i32
        %dma_wait3A_265 = tpu.memref_slice %arg2[%add3A, %add3A_251, %dma_wait3A_264] : memref<32x250x40xi32, #tpu.memory_space<hbm>> -> memref<1x1x40xi32, #tpu.memory_space<hbm>>
        %dma_wait3A_266 = tpu.memref_squeeze %dma_wait3A_265 : memref<1x1x40xi32, #tpu.memory_space<hbm>> -> memref<1x40xi32, #tpu.memory_space<hbm>>
        %dma_wait3A_267 = arith.constant 0 : i32
        %dma_wait3A_268 = tpu.memref_slice %arg2[%add3A, %add3A_251, %dma_wait3A_267] : memref<32x250x40xi32, #tpu.memory_space<hbm>> -> memref<1x1x40xi32, #tpu.memory_space<hbm>>
        %dma_wait3A_269 = tpu.memref_squeeze %dma_wait3A_268 : memref<1x1x40xi32, #tpu.memory_space<hbm>> -> memref<1x40xi32, #tpu.memory_space<hbm>>
        tpu.wait_dma2 semaphore(%arg22 : memref<!tpu.dma_semaphore, #tpu.memory_space<semaphore_mem>>) src(%dma_wait3A_269 : memref<1x40xi32, #tpu.memory_space<hbm>>) dst(%arg10 : memref<1x40xi32, #tpu.memory_space<vmem>>)
        %dma_start3A_270 = arith.constant 0 : i32
        %dma_start3A_271 = arith.constant 0 : i32
        %dma_start3A_272 = tpu.memref_slice %arg9[%dma_start3A_270, %dma_start3A_271] : memref<1x40xi32, #tpu.memory_space<vmem>> -> memref<1x40xi32, #tpu.memory_space<vmem>>
        %dma_start3A_273 = tpu.memref_squeeze %dma_start3A_272 : memref<1x40xi32, #tpu.memory_space<vmem>> -> memref<40xi32, #tpu.memory_space<vmem>>
        %dma_start3A_274 = arith.constant 0 : i32
        %dma_start3A_275 = arith.constant 0 : i32
        %dma_start3A_276 = tpu.memref_slice %arg4[%dma_start3A_274, %dma_start3A_275] : memref<10000x128xf32, #tpu.memory_space<hbm>> -> memref<10000x128xf32, #tpu.memory_space<hbm>>
        tpu.enqueue_indirect_dma source(%dma_start3A_276 : memref<10000x128xf32, #tpu.memory_space<hbm>>) target(%arg12 : memref<40x128xf32, #tpu.memory_space<vmem>>) offsets(%dma_start3A_273 : memref<40xi32, #tpu.memory_space<vmem>>) semaphore(%arg23 : memref<!tpu.dma_semaphore, #tpu.memory_space<semaphore_mem>>)
        %dma_start3A_277 = arith.constant 0 : i32
        %dma_start3A_278 = arith.constant 0 : i32
        %dma_start3A_279 = tpu.memref_slice %arg10[%dma_start3A_277, %dma_start3A_278] : memref<1x40xi32, #tpu.memory_space<vmem>> -> memref<1x40xi32, #tpu.memory_space<vmem>>
        %dma_start3A_280 = tpu.memref_squeeze %dma_start3A_279 : memref<1x40xi32, #tpu.memory_space<vmem>> -> memref<40xi32, #tpu.memory_space<vmem>>
        %dma_start3A_281 = arith.constant 0 : i32
        %dma_start3A_282 = arith.constant 0 : i32
        %dma_start3A_283 = tpu.memref_slice %arg5[%dma_start3A_281, %dma_start3A_282] : memref<10000x128xi32, #tpu.memory_space<hbm>> -> memref<10000x128xi32, #tpu.memory_space<hbm>>
        tpu.enqueue_indirect_dma source(%dma_start3A_283 : memref<10000x128xi32, #tpu.memory_space<hbm>>) target(%arg13 : memref<40x128xi32, #tpu.memory_space<vmem>>) offsets(%dma_start3A_280 : memref<40xi32, #tpu.memory_space<vmem>>) semaphore(%arg24 : memref<!tpu.dma_semaphore, #tpu.memory_space<semaphore_mem>>)
      } else {
      }
      %dma_wait3A_205 = arith.constant 0 : i32
      %dma_wait3A_206 = arith.constant 0 : i32
      %dma_wait3A_207 = tpu.memref_slice %arg15[%dma_wait3A_205, %dma_wait3A_206] : memref<1x40xi32, #tpu.memory_space<vmem>> -> memref<1x40xi32, #tpu.memory_space<vmem>>
      %dma_wait3A_208 = tpu.memref_squeeze %dma_wait3A_207 : memref<1x40xi32, #tpu.memory_space<vmem>> -> memref<40xi32, #tpu.memory_space<vmem>>
      %dma_wait3A_209 = arith.constant 0 : i32
      %dma_wait3A_210 = arith.constant 0 : i32
      %dma_wait3A_211 = tpu.memref_slice %arg4[%dma_wait3A_209, %dma_wait3A_210] : memref<10000x128xf32, #tpu.memory_space<hbm>> -> memref<10000x128xf32, #tpu.memory_space<hbm>>
      tpu.wait_indirect_dma semaphore(%arg27 : memref<!tpu.dma_semaphore, #tpu.memory_space<semaphore_mem>>) src(%dma_wait3A_211 : memref<10000x128xf32, #tpu.memory_space<hbm>>) dst(%arg18 : memref<40x128xf32, #tpu.memory_space<vmem>>)
      %dma_wait3A_212 = arith.constant 0 : i32
      %dma_wait3A_213 = arith.constant 0 : i32
      %dma_wait3A_214 = tpu.memref_slice %arg16[%dma_wait3A_212, %dma_wait3A_213] : memref<1x40xi32, #tpu.memory_space<vmem>> -> memref<1x40xi32, #tpu.memory_space<vmem>>
      %dma_wait3A_215 = tpu.memref_squeeze %dma_wait3A_214 : memref<1x40xi32, #tpu.memory_space<vmem>> -> memref<40xi32, #tpu.memory_space<vmem>>
      %dma_wait3A_216 = arith.constant 0 : i32
      %dma_wait3A_217 = arith.constant 0 : i32
      %dma_wait3A_218 = tpu.memref_slice %arg5[%dma_wait3A_216, %dma_wait3A_217] : memref<10000x128xi32, #tpu.memory_space<hbm>> -> memref<10000x128xi32, #tpu.memory_space<hbm>>
      tpu.wait_indirect_dma semaphore(%arg28 : memref<!tpu.dma_semaphore, #tpu.memory_space<semaphore_mem>>) src(%dma_wait3A_218 : memref<10000x128xi32, #tpu.memory_space<hbm>>) dst(%arg19 : memref<40x128xi32, #tpu.memory_space<vmem>>)
      %ge3A_219 = arith.constant 2 : i32
      %ge3A_220 = arith.cmpi sge, %add3A_123, %ge3A_219 : i32
      %convert_element_type3A_221 = arith.extui %ge3A_220 : i1 to i32
      %cond3A_222 = arith.constant 0 : i32
      %cond3A_223 = arith.cmpi ne, %convert_element_type3A_221, %cond3A_222 : i32
      scf.if %cond3A_223 {
        %dma_wait3A_250 = arith.constant 0 : i32
        %dma_wait3A_251 = arith.constant 0 : i32
        %dma_wait3A_252 = tpu.memref_slice %arg17[%dma_wait3A_250, %dma_wait3A_251] : memref<1x40xi32, #tpu.memory_space<vmem>> -> memref<1x40xi32, #tpu.memory_space<vmem>>
        %dma_wait3A_253 = tpu.memref_squeeze %dma_wait3A_252 : memref<1x40xi32, #tpu.memory_space<vmem>> -> memref<40xi32, #tpu.memory_space<vmem>>
        %dma_wait3A_254 = arith.constant 0 : i32
        %dma_wait3A_255 = arith.constant 0 : i32
        %dma_wait3A_256 = tpu.memref_slice %arg21[%dma_wait3A_254, %dma_wait3A_255] : memref<10000x128xf32, #tpu.memory_space<vmem_shared>> -> memref<10000x128xf32, #tpu.memory_space<vmem_shared>>
        tpu.wait_indirect_dma semaphore(%arg29 : memref<!tpu.dma_semaphore, #tpu.memory_space<semaphore_mem>>) src(%arg20 : memref<40x128xf32, #tpu.memory_space<vmem>>) dst(%dma_wait3A_256 : memref<10000x128xf32, #tpu.memory_space<vmem_shared>>)
      } else {
      }
      %broadcast_in_dim3A_224 = arith.constant -65536 : i32
      %broadcast_in_dim3A_225 = vector.broadcast %broadcast_in_dim3A_224 : i32 to vector<16xi32>
      %broadcast_in_dim3A_226 = arith.constant 16 : i32
      %broadcast_in_dim3A_227 = vector.broadcast %broadcast_in_dim3A_226 : i32 to vector<16xi32>
      %broadcast_in_dim3A_228 = arith.constant 1.000000e+00 : f32
      %broadcast_in_dim3A_229 = vector.broadcast %broadcast_in_dim3A_228 : f32 to vector<16xf32>
      %scan3A_230 = arith.constant 0 : i32
      %scan3A_231 = arith.constant 0 : i32
      %scan3A_232 = arith.constant 40 : i32
      %scan3A_233 = arith.addi %scan3A_231, %scan3A_232 : i32
      %scan3A_234 = arith.constant 1 : i32
      scf.for %scan3A_250 = %scan3A_231 to %scan3A_233 step %scan3A_234  : i32 {
        %get3A = arith.index_cast %scan3A_250 : i32 to index
        %get3A_251 = arith.constant 0 : index
        %get3A_252 = tpu.vector_load %arg19[%get3A, %get3A_251] {strides = array<i32>} : memref<40x128xi32, #tpu.memory_space<vmem>>, vector<1x16xi32>,
        %get3A_253 = vector.shape_cast %get3A_252 : vector<1x16xi32> to vector<16xi32>
        %shift_left3A = arith.shli %get3A_253, %broadcast_in_dim3A_227 : vector<16xi32>
        %bitcast_convert_type3A = tpu.bitcast %shift_left3A : vector<16xi32> -> vector<16xf32>
        %and3A = arith.andi %get3A_253, %broadcast_in_dim3A_225 : vector<16xi32>
        %bitcast_convert_type3A_254 = tpu.bitcast %and3A : vector<16xi32> -> vector<16xf32>
        %get3A_255 = arith.index_cast %scan3A_250 : i32 to index
        %get3A_256 = arith.constant 64 : index
        %get3A_257 = tpu.vector_load %arg19[%get3A_255, %get3A_256] {strides = array<i32>} : memref<40x128xi32, #tpu.memory_space<vmem>>, vector<1x16xi32>,
        %get3A_258 = vector.shape_cast %get3A_257 : vector<1x16xi32> to vector<16xi32>
        %shift_left3A_259 = arith.shli %get3A_258, %broadcast_in_dim3A_227 : vector<16xi32>
        %bitcast_convert_type3A_260 = tpu.bitcast %shift_left3A_259 : vector<16xi32> -> vector<16xf32>
        %and3A_261 = arith.andi %get3A_258, %broadcast_in_dim3A_225 : vector<16xi32>
        %bitcast_convert_type3A_262 = tpu.bitcast %and3A_261 : vector<16xi32> -> vector<16xf32>
        %get3A_263 = arith.index_cast %scan3A_250 : i32 to index
        %get3A_264 = arith.constant 0 : index
        %get3A_265 = tpu.vector_load %arg18[%get3A_263, %get3A_264] {strides = array<i32>} : memref<40x128xf32, #tpu.memory_space<vmem>>, vector<1x16xf32>,
        %get3A_266 = vector.shape_cast %get3A_265 : vector<1x16xf32> to vector<16xf32>
        %get3A_267 = arith.index_cast %scan3A_250 : i32 to index
        %get3A_268 = arith.constant 16 : index
        %get3A_269 = tpu.vector_load %arg18[%get3A_267, %get3A_268] {strides = array<i32>} : memref<40x128xf32, #tpu.memory_space<vmem>>, vector<1x16xf32>,
        %get3A_270 = vector.shape_cast %get3A_269 : vector<1x16xf32> to vector<16xf32>
        %sub3A = arith.subf %get3A_266, %bitcast_convert_type3A : vector<16xf32>
        %exp3A = math.exp %sub3A : vector<16xf32>
        %add3A_271 = arith.addf %broadcast_in_dim3A_229, %exp3A : vector<16xf32>
        %div3A = arith.divf %bitcast_convert_type3A_260, %add3A_271 : vector<16xf32>
        %swap3A = arith.index_cast %scan3A_250 : i32 to index
        %swap3A_272 = arith.constant 0 : index
        %swap3A_273 = tpu.vector_load %arg20[%swap3A, %swap3A_272] {strides = array<i32>} : memref<40x128xf32, #tpu.memory_space<vmem>>, vector<1x16xf32>,
        %swap3A_274 = vector.shape_cast %swap3A_273 : vector<1x16xf32> to vector<16xf32>
        %swap3A_275 = vector.shape_cast %div3A : vector<16xf32> to vector<1x16xf32>
        tpu.vector_store %arg20[%swap3A, %swap3A_272], %swap3A_275 {strides = array<i32>} : memref<40x128xf32, #tpu.memory_space<vmem>>, vector<1x16xf32>,
        %sub3A_276 = arith.subf %get3A_270, %bitcast_convert_type3A_254 : vector<16xf32>
        %exp3A_277 = math.exp %sub3A_276 : vector<16xf32>
        %add3A_278 = arith.addf %broadcast_in_dim3A_229, %exp3A_277 : vector<16xf32>
        %div3A_279 = arith.divf %bitcast_convert_type3A_262, %add3A_278 : vector<16xf32>
        %swap3A_280 = arith.index_cast %scan3A_250 : i32 to index
        %swap3A_281 = arith.constant 16 : index
        %swap3A_282 = tpu.vector_load %arg20[%swap3A_280, %swap3A_281] {strides = array<i32>} : memref<40x128xf32, #tpu.memory_space<vmem>>, vector<1x16xf32>,
        %swap3A_283 = vector.shape_cast %swap3A_282 : vector<1x16xf32> to vector<16xf32>
        %swap3A_284 = vector.shape_cast %div3A_279 : vector<16xf32> to vector<1x16xf32>
        tpu.vector_store %arg20[%swap3A_280, %swap3A_281], %swap3A_284 {strides = array<i32>} : memref<40x128xf32, #tpu.memory_space<vmem>>, vector<1x16xf32>,
        %get3A_285 = arith.index_cast %scan3A_250 : i32 to index
        %get3A_286 = arith.constant 16 : index
        %get3A_287 = tpu.vector_load %arg19[%get3A_285, %get3A_286] {strides = array<i32>} : memref<40x128xi32, #tpu.memory_space<vmem>>, vector<1x16xi32>,
        %get3A_288 = vector.shape_cast %get3A_287 : vector<1x16xi32> to vector<16xi32>
        %shift_left3A_289 = arith.shli %get3A_288, %broadcast_in_dim3A_227 : vector<16xi32>
        %bitcast_convert_type3A_290 = tpu.bitcast %shift_left3A_289 : vector<16xi32> -> vector<16xf32>
        %and3A_291 = arith.andi %get3A_288, %broadcast_in_dim3A_225 : vector<16xi32>
        %bitcast_convert_type3A_292 = tpu.bitcast %and3A_291 : vector<16xi32> -> vector<16xf32>
        %get3A_293 = arith.index_cast %scan3A_250 : i32 to index
        %get3A_294 = arith.constant 80 : index
        %get3A_295 = tpu.vector_load %arg19[%get3A_293, %get3A_294] {strides = array<i32>} : memref<40x128xi32, #tpu.memory_space<vmem>>, vector<1x16xi32>,
        %get3A_296 = vector.shape_cast %get3A_295 : vector<1x16xi32> to vector<16xi32>
        %shift_left3A_297 = arith.shli %get3A_296, %broadcast_in_dim3A_227 : vector<16xi32>
        %bitcast_convert_type3A_298 = tpu.bitcast %shift_left3A_297 : vector<16xi32> -> vector<16xf32>
        %and3A_299 = arith.andi %get3A_296, %broadcast_in_dim3A_225 : vector<16xi32>
        %bitcast_convert_type3A_300 = tpu.bitcast %and3A_299 : vector<16xi32> -> vector<16xf32>
        %get3A_301 = arith.index_cast %scan3A_250 : i32 to index
        %get3A_302 = arith.constant 32 : index
        %get3A_303 = tpu.vector_load %arg18[%get3A_301, %get3A_302] {strides = array<i32>} : memref<40x128xf32, #tpu.memory_space<vmem>>, vector<1x16xf32>,
        %get3A_304 = vector.shape_cast %get3A_303 : vector<1x16xf32> to vector<16xf32>
        %get3A_305 = arith.index_cast %scan3A_250 : i32 to index
        %get3A_306 = arith.constant 48 : index
        %get3A_307 = tpu.vector_load %arg18[%get3A_305, %get3A_306] {strides = array<i32>} : memref<40x128xf32, #tpu.memory_space<vmem>>, vector<1x16xf32>,
        %get3A_308 = vector.shape_cast %get3A_307 : vector<1x16xf32> to vector<16xf32>
        %sub3A_309 = arith.subf %get3A_304, %bitcast_convert_type3A_290 : vector<16xf32>
        %exp3A_310 = math.exp %sub3A_309 : vector<16xf32>
        %add3A_311 = arith.addf %broadcast_in_dim3A_229, %exp3A_310 : vector<16xf32>
        %div3A_312 = arith.divf %bitcast_convert_type3A_298, %add3A_311 : vector<16xf32>
        %swap3A_313 = arith.index_cast %scan3A_250 : i32 to index
        %swap3A_314 = arith.constant 32 : index
        %swap3A_315 = tpu.vector_load %arg20[%swap3A_313, %swap3A_314] {strides = array<i32>} : memref<40x128xf32, #tpu.memory_space<vmem>>, vector<1x16xf32>,
        %swap3A_316 = vector.shape_cast %swap3A_315 : vector<1x16xf32> to vector<16xf32>
        %swap3A_317 = vector.shape_cast %div3A_312 : vector<16xf32> to vector<1x16xf32>
        tpu.vector_store %arg20[%swap3A_313, %swap3A_314], %swap3A_317 {strides = array<i32>} : memref<40x128xf32, #tpu.memory_space<vmem>>, vector<1x16xf32>,
        %sub3A_318 = arith.subf %get3A_308, %bitcast_convert_type3A_292 : vector<16xf32>
        %exp3A_319 = math.exp %sub3A_318 : vector<16xf32>
        %add3A_320 = arith.addf %broadcast_in_dim3A_229, %exp3A_319 : vector<16xf32>
        %div3A_321 = arith.divf %bitcast_convert_type3A_300, %add3A_320 : vector<16xf32>
        %swap3A_322 = arith.index_cast %scan3A_250 : i32 to index
        %swap3A_323 = arith.constant 48 : index
        %swap3A_324 = tpu.vector_load %arg20[%swap3A_322, %swap3A_323] {strides = array<i32>} : memref<40x128xf32, #tpu.memory_space<vmem>>, vector<1x16xf32>,
        %swap3A_325 = vector.shape_cast %swap3A_324 : vector<1x16xf32> to vector<16xf32>
        %swap3A_326 = vector.shape_cast %div3A_321 : vector<16xf32> to vector<1x16xf32>
        tpu.vector_store %arg20[%swap3A_322, %swap3A_323], %swap3A_326 {strides = array<i32>} : memref<40x128xf32, #tpu.memory_space<vmem>>, vector<1x16xf32>,
        %get3A_327 = arith.index_cast %scan3A_250 : i32 to index
        %get3A_328 = arith.constant 32 : index
        %get3A_329 = tpu.vector_load %arg19[%get3A_327, %get3A_328] {strides = array<i32>} : memref<40x128xi32, #tpu.memory_space<vmem>>, vector<1x16xi32>,
        %get3A_330 = vector.shape_cast %get3A_329 : vector<1x16xi32> to vector<16xi32>
        %shift_left3A_331 = arith.shli %get3A_330, %broadcast_in_dim3A_227 : vector<16xi32>
        %bitcast_convert_type3A_332 = tpu.bitcast %shift_left3A_331 : vector<16xi32> -> vector<16xf32>
        %and3A_333 = arith.andi %get3A_330, %broadcast_in_dim3A_225 : vector<16xi32>
        %bitcast_convert_type3A_334 = tpu.bitcast %and3A_333 : vector<16xi32> -> vector<16xf32>
        %get3A_335 = arith.index_cast %scan3A_250 : i32 to index
        %get3A_336 = arith.constant 96 : index
        %get3A_337 = tpu.vector_load %arg19[%get3A_335, %get3A_336] {strides = array<i32>} : memref<40x128xi32, #tpu.memory_space<vmem>>, vector<1x16xi32>,
        %get3A_338 = vector.shape_cast %get3A_337 : vector<1x16xi32> to vector<16xi32>
        %shift_left3A_339 = arith.shli %get3A_338, %broadcast_in_dim3A_227 : vector<16xi32>
        %bitcast_convert_type3A_340 = tpu.bitcast %shift_left3A_339 : vector<16xi32> -> vector<16xf32>
        %and3A_341 = arith.andi %get3A_338, %broadcast_in_dim3A_225 : vector<16xi32>
        %bitcast_convert_type3A_342 = tpu.bitcast %and3A_341 : vector<16xi32> -> vector<16xf32>
        %get3A_343 = arith.index_cast %scan3A_250 : i32 to index
        %get3A_344 = arith.constant 64 : index
        %get3A_345 = tpu.vector_load %arg18[%get3A_343, %get3A_344] {strides = array<i32>} : memref<40x128xf32, #tpu.memory_space<vmem>>, vector<1x16xf32>,
        %get3A_346 = vector.shape_cast %get3A_345 : vector<1x16xf32> to vector<16xf32>
        %get3A_347 = arith.index_cast %scan3A_250 : i32 to index
        %get3A_348 = arith.constant 80 : index
        %get3A_349 = tpu.vector_load %arg18[%get3A_347, %get3A_348] {strides = array<i32>} : memref<40x128xf32, #tpu.memory_space<vmem>>, vector<1x16xf32>,
        %get3A_350 = vector.shape_cast %get3A_349 : vector<1x16xf32> to vector<16xf32>
        %sub3A_351 = arith.subf %get3A_346, %bitcast_convert_type3A_332 : vector<16xf32>
        %exp3A_352 = math.exp %sub3A_351 : vector<16xf32>
        %add3A_353 = arith.addf %broadcast_in_dim3A_229, %exp3A_352 : vector<16xf32>
        %div3A_354 = arith.divf %bitcast_convert_type3A_340, %add3A_353 : vector<16xf32>
        %swap3A_355 = arith.index_cast %scan3A_250 : i32 to index
        %swap3A_356 = arith.constant 64 : index
        %swap3A_357 = tpu.vector_load %arg20[%swap3A_355, %swap3A_356] {strides = array<i32>} : memref<40x128xf32, #tpu.memory_space<vmem>>, vector<1x16xf32>,
        %swap3A_358 = vector.shape_cast %swap3A_357 : vector<1x16xf32> to vector<16xf32>
        %swap3A_359 = vector.shape_cast %div3A_354 : vector<16xf32> to vector<1x16xf32>
        tpu.vector_store %arg20[%swap3A_355, %swap3A_356], %swap3A_359 {strides = array<i32>} : memref<40x128xf32, #tpu.memory_space<vmem>>, vector<1x16xf32>,
        %sub3A_360 = arith.subf %get3A_350, %bitcast_convert_type3A_334 : vector<16xf32>
        %exp3A_361 = math.exp %sub3A_360 : vector<16xf32>
        %add3A_362 = arith.addf %broadcast_in_dim3A_229, %exp3A_361 : vector<16xf32>
        %div3A_363 = arith.divf %bitcast_convert_type3A_342, %add3A_362 : vector<16xf32>
        %swap3A_364 = arith.index_cast %scan3A_250 : i32 to index
        %swap3A_365 = arith.constant 80 : index
        %swap3A_366 = tpu.vector_load %arg20[%swap3A_364, %swap3A_365] {strides = array<i32>} : memref<40x128xf32, #tpu.memory_space<vmem>>, vector<1x16xf32>,
        %swap3A_367 = vector.shape_cast %swap3A_366 : vector<1x16xf32> to vector<16xf32>
        %swap3A_368 = vector.shape_cast %div3A_363 : vector<16xf32> to vector<1x16xf32>
        tpu.vector_store %arg20[%swap3A_364, %swap3A_365], %swap3A_368 {strides = array<i32>} : memref<40x128xf32, #tpu.memory_space<vmem>>, vector<1x16xf32>,
        %get3A_369 = arith.index_cast %scan3A_250 : i32 to index
        %get3A_370 = arith.constant 48 : index
        %get3A_371 = tpu.vector_load %arg19[%get3A_369, %get3A_370] {strides = array<i32>} : memref<40x128xi32, #tpu.memory_space<vmem>>, vector<1x16xi32>,
        %get3A_372 = vector.shape_cast %get3A_371 : vector<1x16xi32> to vector<16xi32>
        %shift_left3A_373 = arith.shli %get3A_372, %broadcast_in_dim3A_227 : vector<16xi32>
        %bitcast_convert_type3A_374 = tpu.bitcast %shift_left3A_373 : vector<16xi32> -> vector<16xf32>
        %and3A_375 = arith.andi %get3A_372, %broadcast_in_dim3A_225 : vector<16xi32>
        %bitcast_convert_type3A_376 = tpu.bitcast %and3A_375 : vector<16xi32> -> vector<16xf32>
        %get3A_377 = arith.index_cast %scan3A_250 : i32 to index
        %get3A_378 = arith.constant 112 : index
        %get3A_379 = tpu.vector_load %arg19[%get3A_377, %get3A_378] {strides = array<i32>} : memref<40x128xi32, #tpu.memory_space<vmem>>, vector<1x16xi32>,
        %get3A_380 = vector.shape_cast %get3A_379 : vector<1x16xi32> to vector<16xi32>
        %shift_left3A_381 = arith.shli %get3A_380, %broadcast_in_dim3A_227 : vector<16xi32>
        %bitcast_convert_type3A_382 = tpu.bitcast %shift_left3A_381 : vector<16xi32> -> vector<16xf32>
        %and3A_383 = arith.andi %get3A_380, %broadcast_in_dim3A_225 : vector<16xi32>
        %bitcast_convert_type3A_384 = tpu.bitcast %and3A_383 : vector<16xi32> -> vector<16xf32>
        %get3A_385 = arith.index_cast %scan3A_250 : i32 to index
        %get3A_386 = arith.constant 96 : index
        %get3A_387 = tpu.vector_load %arg18[%get3A_385, %get3A_386] {strides = array<i32>} : memref<40x128xf32, #tpu.memory_space<vmem>>, vector<1x16xf32>,
        %get3A_388 = vector.shape_cast %get3A_387 : vector<1x16xf32> to vector<16xf32>
        %get3A_389 = arith.index_cast %scan3A_250 : i32 to index
        %get3A_390 = arith.constant 112 : index
        %get3A_391 = tpu.vector_load %arg18[%get3A_389, %get3A_390] {strides = array<i32>} : memref<40x128xf32, #tpu.memory_space<vmem>>, vector<1x16xf32>,
        %get3A_392 = vector.shape_cast %get3A_391 : vector<1x16xf32> to vector<16xf32>
        %sub3A_393 = arith.subf %get3A_388, %bitcast_convert_type3A_374 : vector<16xf32>
        %exp3A_394 = math.exp %sub3A_393 : vector<16xf32>
        %add3A_395 = arith.addf %broadcast_in_dim3A_229, %exp3A_394 : vector<16xf32>
        %div3A_396 = arith.divf %bitcast_convert_type3A_382, %add3A_395 : vector<16xf32>
        %swap3A_397 = arith.index_cast %scan3A_250 : i32 to index
        %swap3A_398 = arith.constant 96 : index
        %swap3A_399 = tpu.vector_load %arg20[%swap3A_397, %swap3A_398] {strides = array<i32>} : memref<40x128xf32, #tpu.memory_space<vmem>>, vector<1x16xf32>,
        %swap3A_400 = vector.shape_cast %swap3A_399 : vector<1x16xf32> to vector<16xf32>
        %swap3A_401 = vector.shape_cast %div3A_396 : vector<16xf32> to vector<1x16xf32>
        tpu.vector_store %arg20[%swap3A_397, %swap3A_398], %swap3A_401 {strides = array<i32>} : memref<40x128xf32, #tpu.memory_space<vmem>>, vector<1x16xf32>,
        %sub3A_402 = arith.subf %get3A_392, %bitcast_convert_type3A_376 : vector<16xf32>
        %exp3A_403 = math.exp %sub3A_402 : vector<16xf32>
        %add3A_404 = arith.addf %broadcast_in_dim3A_229, %exp3A_403 : vector<16xf32>
        %div3A_405 = arith.divf %bitcast_convert_type3A_384, %add3A_404 : vector<16xf32>
        %swap3A_406 = arith.index_cast %scan3A_250 : i32 to index
        %swap3A_407 = arith.constant 112 : index
        %swap3A_408 = tpu.vector_load %arg20[%swap3A_406, %swap3A_407] {strides = array<i32>} : memref<40x128xf32, #tpu.memory_space<vmem>>, vector<1x16xf32>,
        %swap3A_409 = vector.shape_cast %swap3A_408 : vector<1x16xf32> to vector<16xf32>
        %swap3A_410 = vector.shape_cast %div3A_405 : vector<16xf32> to vector<1x16xf32>
        tpu.vector_store %arg20[%swap3A_406, %swap3A_407], %swap3A_410 {strides = array<i32>} : memref<40x128xf32, #tpu.memory_space<vmem>>, vector<1x16xf32>,
      }
      %scan3A_235 = arith.constant 40 : i32
      %dma_start3A_236 = arith.constant 0 : i32
      %dma_start3A_237 = arith.constant 0 : i32
      %dma_start3A_238 = tpu.memref_slice %arg17[%dma_start3A_236, %dma_start3A_237] : memref<1x40xi32, #tpu.memory_space<vmem>> -> memref<1x40xi32, #tpu.memory_space<vmem>>
      %dma_start3A_239 = tpu.memref_squeeze %dma_start3A_238 : memref<1x40xi32, #tpu.memory_space<vmem>> -> memref<40xi32, #tpu.memory_space<vmem>>
      %dma_start3A_240 = arith.constant 0 : i32
      %dma_start3A_241 = arith.constant 0 : i32
      %dma_start3A_242 = tpu.memref_slice %arg21[%dma_start3A_240, %dma_start3A_241] : memref<10000x128xf32, #tpu.memory_space<vmem_shared>> -> memref<10000x128xf32, #tpu.memory_space<vmem_shared>>
      tpu.enqueue_indirect_dma source(%arg20 : memref<40x128xf32, #tpu.memory_space<vmem>>) target(%dma_start3A_242 : memref<10000x128xf32, #tpu.memory_space<vmem_shared>>) offsets(%dma_start3A_239 : memref<40xi32, #tpu.memory_space<vmem>>) semaphore(%arg29 : memref<!tpu.dma_semaphore, #tpu.memory_space<semaphore_mem>>) {add = true}
      %add3A_243 = arith.constant 2 : i32
      %add3A_244 = arith.addi %add3A_123, %add3A_243 : i32
      %lt3A_245 = arith.constant 250 : i32
      %lt3A_246 = arith.cmpi slt, %add3A_244, %lt3A_245 : i32
      %convert_element_type3A_247 = arith.extui %lt3A_246 : i1 to i32
      %cond3A_248 = arith.constant 0 : i32
      %cond3A_249 = arith.cmpi ne, %convert_element_type3A_247, %cond3A_248 : i32
      scf.if %cond3A_249 {
        %add3A_250 = arith.constant 2 : i32
        %add3A_251 = arith.addi %add3A_123, %add3A_250 : i32
        %dma_start3A_252 = arith.constant 0 : i32
        %dma_start3A_253 = tpu.memref_slice %arg3[%add3A, %add3A_251, %dma_start3A_252] : memref<32x250x40xi32, #tpu.memory_space<hbm>> -> memref<1x1x40xi32, #tpu.memory_space<hbm>>
        %dma_start3A_254 = tpu.memref_squeeze %dma_start3A_253 : memref<1x1x40xi32, #tpu.memory_space<hbm>> -> memref<1x40xi32, #tpu.memory_space<hbm>>
        %dma_start3A_255 = arith.constant 0 : i32
        %dma_start3A_256 = tpu.memref_slice %arg3[%add3A, %add3A_251, %dma_start3A_255] : memref<32x250x40xi32, #tpu.memory_space<hbm>> -> memref<1x1x40xi32, #tpu.memory_space<hbm>>
        %dma_start3A_257 = tpu.memref_squeeze %dma_start3A_256 : memref<1x1x40xi32, #tpu.memory_space<hbm>> -> memref<1x40xi32, #tpu.memory_space<hbm>>
        tpu.enqueue_dma source(%dma_start3A_257 : memref<1x40xi32, #tpu.memory_space<hbm>>) target(%arg15 : memref<1x40xi32, #tpu.memory_space<vmem>>) target_semaphore(%arg26 : memref<!tpu.dma_semaphore, #tpu.memory_space<semaphore_mem>>)
        %dma_start3A_258 = arith.constant 0 : i32
        %dma_start3A_259 = tpu.memref_slice %arg3[%add3A, %add3A_251, %dma_start3A_258] : memref<32x250x40xi32, #tpu.memory_space<hbm>> -> memref<1x1x40xi32, #tpu.memory_space<hbm>>
        %dma_start3A_260 = tpu.memref_squeeze %dma_start3A_259 : memref<1x1x40xi32, #tpu.memory_space<hbm>> -> memref<1x40xi32, #tpu.memory_space<hbm>>
        %dma_start3A_261 = arith.constant 0 : i32
        %dma_start3A_262 = tpu.memref_slice %arg3[%add3A, %add3A_251, %dma_start3A_261] : memref<32x250x40xi32, #tpu.memory_space<hbm>> -> memref<1x1x40xi32, #tpu.memory_space<hbm>>
        %dma_start3A_263 = tpu.memref_squeeze %dma_start3A_262 : memref<1x1x40xi32, #tpu.memory_space<hbm>> -> memref<1x40xi32, #tpu.memory_space<hbm>>
        tpu.enqueue_dma source(%dma_start3A_263 : memref<1x40xi32, #tpu.memory_space<hbm>>) target(%arg17 : memref<1x40xi32, #tpu.memory_space<vmem>>) target_semaphore(%arg26 : memref<!tpu.dma_semaphore, #tpu.memory_space<semaphore_mem>>)
        %dma_start3A_264 = arith.constant 0 : i32
        %dma_start3A_265 = tpu.memref_slice %arg2[%add3A, %add3A_251, %dma_start3A_264] : memref<32x250x40xi32, #tpu.memory_space<hbm>> -> memref<1x1x40xi32, #tpu.memory_space<hbm>>
        %dma_start3A_266 = tpu.memref_squeeze %dma_start3A_265 : memref<1x1x40xi32, #tpu.memory_space<hbm>> -> memref<1x40xi32, #tpu.memory_space<hbm>>
        %dma_start3A_267 = arith.constant 0 : i32
        %dma_start3A_268 = tpu.memref_slice %arg2[%add3A, %add3A_251, %dma_start3A_267] : memref<32x250x40xi32, #tpu.memory_space<hbm>> -> memref<1x1x40xi32, #tpu.memory_space<hbm>>
        %dma_start3A_269 = tpu.memref_squeeze %dma_start3A_268 : memref<1x1x40xi32, #tpu.memory_space<hbm>> -> memref<1x40xi32, #tpu.memory_space<hbm>>
        tpu.enqueue_dma source(%dma_start3A_269 : memref<1x40xi32, #tpu.memory_space<hbm>>) target(%arg16 : memref<1x40xi32, #tpu.memory_space<vmem>>) target_semaphore(%arg26 : memref<!tpu.dma_semaphore, #tpu.memory_space<semaphore_mem>>)
      } else {
      }
    }
    %scan3A_91 = arith.constant 125 : i32
    %dma_wait3A_92 = arith.constant 0 : i32
    %dma_wait3A_93 = arith.constant 0 : i32
    %dma_wait3A_94 = tpu.memref_slice %arg11[%dma_wait3A_92, %dma_wait3A_93] : memref<1x40xi32, #tpu.memory_space<vmem>> -> memref<1x40xi32, #tpu.memory_space<vmem>>
    %dma_wait3A_95 = tpu.memref_squeeze %dma_wait3A_94 : memref<1x40xi32, #tpu.memory_space<vmem>> -> memref<40xi32, #tpu.memory_space<vmem>>
    %dma_wait3A_96 = arith.constant 0 : i32
    %dma_wait3A_97 = arith.constant 0 : i32
    %dma_wait3A_98 = tpu.memref_slice %arg21[%dma_wait3A_96, %dma_wait3A_97] : memref<10000x128xf32, #tpu.memory_space<vmem_shared>> -> memref<10000x128xf32, #tpu.memory_space<vmem_shared>>
    tpu.wait_indirect_dma semaphore(%arg25 : memref<!tpu.dma_semaphore, #tpu.memory_space<semaphore_mem>>) src(%arg14 : memref<40x128xf32, #tpu.memory_space<vmem>>) dst(%dma_wait3A_98 : memref<10000x128xf32, #tpu.memory_space<vmem_shared>>)
    %dma_wait3A_99 = arith.constant 0 : i32
    %dma_wait3A_100 = arith.constant 0 : i32
    %dma_wait3A_101 = tpu.memref_slice %arg17[%dma_wait3A_99, %dma_wait3A_100] : memref<1x40xi32, #tpu.memory_space<vmem>> -> memref<1x40xi32, #tpu.memory_space<vmem>>
    %dma_wait3A_102 = tpu.memref_squeeze %dma_wait3A_101 : memref<1x40xi32, #tpu.memory_space<vmem>> -> memref<40xi32, #tpu.memory_space<vmem>>
    %dma_wait3A_103 = arith.constant 0 : i32
    %dma_wait3A_104 = arith.constant 0 : i32
    %dma_wait3A_105 = tpu.memref_slice %arg21[%dma_wait3A_103, %dma_wait3A_104] : memref<10000x128xf32, #tpu.memory_space<vmem_shared>> -> memref<10000x128xf32, #tpu.memory_space<vmem_shared>>
    tpu.wait_indirect_dma semaphore(%arg29 : memref<!tpu.dma_semaphore, #tpu.memory_space<semaphore_mem>>) src(%arg20 : memref<40x128xf32, #tpu.memory_space<vmem>>) dst(%dma_wait3A_105 : memref<10000x128xf32, #tpu.memory_space<vmem_shared>>)
    %barrier3A_106 = arith.constant 0 : index
    tpu.barrier barrier_id(%barrier3A_106)
    %mul3A_107 = arith.constant 624 : i32
    %mul3A_108 = arith.muli %arg1, %mul3A_107 : i32
    %multiple_of3A = tpu.assume_multiple %mul3A_108, 8 : i32
    %eq3A_109 = arith.constant 0 : i32
    %eq3A_110 = arith.cmpi eq, %arg0, %eq3A_109 : i32
    %convert_element_type3A_111 = arith.extui %eq3A_110 : i1 to i32
    %cond3A_112 = arith.constant 0 : i32
    %cond3A_113 = arith.cmpi ne, %convert_element_type3A_111, %cond3A_112 : i32
    scf.if %cond3A_113 {
      %lt3A = arith.constant 15 : i32
      %lt3A_119 = arith.cmpi slt, %arg1, %lt3A : i32
      %convert_element_type3A_120 = arith.extui %lt3A_119 : i1 to i32
      %cond3A_121 = arith.constant 0 : i32
      %cond3A_122 = arith.cmpi ne, %convert_element_type3A_120, %cond3A_121 : i32
      scf.if %cond3A_122 {
        "tpu.region"() ({
          %run_scoped3A = tpu.sem_alloc : memref<!tpu.dma_semaphore, #tpu.memory_space<semaphore_mem>>
          %dma_start3A_128 = arith.constant 0 : i32
          %dma_start3A_129 = tpu.memref_slice %arg7[%multiple_of3A, %dma_start3A_128] : memref<10000x128xf32, #tpu.memory_space<hbm>> -> memref<624x128xf32, #tpu.memory_space<hbm>>
          %dma_start3A_130 = arith.constant 0 : i32
          %dma_start3A_131 = tpu.memref_slice %arg21[%multiple_of3A, %dma_start3A_130] : memref<10000x128xf32, #tpu.memory_space<vmem_shared>> -> memref<624x128xf32, #tpu.memory_space<vmem_shared>>
          tpu.enqueue_dma source(%dma_start3A_131 : memref<624x128xf32, #tpu.memory_space<vmem_shared>>) target(%dma_start3A_129 : memref<624x128xf32, #tpu.memory_space<hbm>>) target_semaphore(%run_scoped3A : memref<!tpu.dma_semaphore, #tpu.memory_space<semaphore_mem>>)
          %dma_wait3A_132 = arith.constant 0 : i32
          %dma_wait3A_133 = tpu.memref_slice %arg7[%multiple_of3A, %dma_wait3A_132] : memref<10000x128xf32, #tpu.memory_space<hbm>> -> memref<624x128xf32, #tpu.memory_space<hbm>>
          %dma_wait3A_134 = arith.constant 0 : i32
          %dma_wait3A_135 = tpu.memref_slice %arg21[%multiple_of3A, %dma_wait3A_134] : memref<10000x128xf32, #tpu.memory_space<vmem_shared>> -> memref<624x128xf32, #tpu.memory_space<vmem_shared>>
          tpu.wait_dma2 semaphore(%run_scoped3A : memref<!tpu.dma_semaphore, #tpu.memory_space<semaphore_mem>>) src(%dma_wait3A_135 : memref<624x128xf32, #tpu.memory_space<vmem_shared>>) dst(%dma_wait3A_133 : memref<624x128xf32, #tpu.memory_space<hbm>>)
          tpu.yield
        }) : () -> ()
      } else {
      }
      %eq3A_123 = arith.constant 15 : i32
      %eq3A_124 = arith.cmpi eq, %arg1, %eq3A_123 : i32
      %convert_element_type3A_125 = arith.extui %eq3A_124 : i1 to i32
      %cond3A_126 = arith.constant 0 : i32
      %cond3A_127 = arith.cmpi ne, %convert_element_type3A_125, %cond3A_126 : i32
      scf.if %cond3A_127 {
        "tpu.region"() ({
          %run_scoped3A = tpu.sem_alloc : memref<!tpu.dma_semaphore, #tpu.memory_space<semaphore_mem>>
          %dma_start3A_128 = arith.constant 9360 : i32
          %dma_start3A_129 = arith.constant 0 : i32
          %dma_start3A_130 = tpu.memref_slice %arg7[%dma_start3A_128, %dma_start3A_129] : memref<10000x128xf32, #tpu.memory_space<hbm>> -> memref<640x128xf32, #tpu.memory_space<hbm>>
          %dma_start3A_131 = arith.constant 9360 : i32
          %dma_start3A_132 = arith.constant 0 : i32
          %dma_start3A_133 = tpu.memref_slice %arg21[%dma_start3A_131, %dma_start3A_132] : memref<10000x128xf32, #tpu.memory_space<vmem_shared>> -> memref<640x128xf32, #tpu.memory_space<vmem_shared>>
          tpu.enqueue_dma source(%dma_start3A_133 : memref<640x128xf32, #tpu.memory_space<vmem_shared>>) target(%dma_start3A_130 : memref<640x128xf32, #tpu.memory_space<hbm>>) target_semaphore(%run_scoped3A : memref<!tpu.dma_semaphore, #tpu.memory_space<semaphore_mem>>)
          %dma_wait3A_134 = arith.constant 9360 : i32
          %dma_wait3A_135 = arith.constant 0 : i32
          %dma_wait3A_136 = tpu.memref_slice %arg7[%dma_wait3A_134, %dma_wait3A_135] : memref<10000x128xf32, #tpu.memory_space<hbm>> -> memref<640x128xf32, #tpu.memory_space<hbm>>
          %dma_wait3A_137 = arith.constant 9360 : i32
          %dma_wait3A_138 = arith.constant 0 : i32
          %dma_wait3A_139 = tpu.memref_slice %arg21[%dma_wait3A_137, %dma_wait3A_138] : memref<10000x128xf32, #tpu.memory_space<vmem_shared>> -> memref<640x128xf32, #tpu.memory_space<vmem_shared>>
          tpu.wait_dma2 semaphore(%run_scoped3A : memref<!tpu.dma_semaphore, #tpu.memory_space<semaphore_mem>>) src(%dma_wait3A_139 : memref<640x128xf32, #tpu.memory_space<vmem_shared>>) dst(%dma_wait3A_136 : memref<640x128xf32, #tpu.memory_space<hbm>>)
          tpu.yield
        }) : () -> ()
      } else {
      }
    } else {
    }
    %eq3A_114 = arith.constant 1 : i32
    %eq3A_115 = arith.cmpi eq, %arg0, %eq3A_114 : i32
    %convert_element_type3A_116 = arith.extui %eq3A_115 : i1 to i32
    %cond3A_117 = arith.constant 0 : i32
    %cond3A_118 = arith.cmpi ne, %convert_element_type3A_116, %cond3A_117 : i32
    scf.if %cond3A_118 {
      %lt3A = arith.constant 15 : i32
      %lt3A_119 = arith.cmpi slt, %arg1, %lt3A : i32
      %convert_element_type3A_120 = arith.extui %lt3A_119 : i1 to i32
      %cond3A_121 = arith.constant 0 : i32
      %cond3A_122 = arith.cmpi ne, %convert_element_type3A_120, %cond3A_121 : i32
      scf.if %cond3A_122 {
        "tpu.region"() ({
          %run_scoped3A = tpu.sem_alloc : memref<!tpu.dma_semaphore, #tpu.memory_space<semaphore_mem>>
          %dma_start3A_128 = arith.constant 0 : i32
          %dma_start3A_129 = tpu.memref_slice %arg8[%multiple_of3A, %dma_start3A_128] : memref<10000x128xf32, #tpu.memory_space<hbm>> -> memref<624x128xf32, #tpu.memory_space<hbm>>
          %dma_start3A_130 = arith.constant 0 : i32
          %dma_start3A_131 = tpu.memref_slice %arg21[%multiple_of3A, %dma_start3A_130] : memref<10000x128xf32, #tpu.memory_space<vmem_shared>> -> memref<624x128xf32, #tpu.memory_space<vmem_shared>>
          tpu.enqueue_dma source(%dma_start3A_131 : memref<624x128xf32, #tpu.memory_space<vmem_shared>>) target(%dma_start3A_129 : memref<624x128xf32, #tpu.memory_space<hbm>>) target_semaphore(%run_scoped3A : memref<!tpu.dma_semaphore, #tpu.memory_space<semaphore_mem>>)
          %dma_wait3A_132 = arith.constant 0 : i32
          %dma_wait3A_133 = tpu.memref_slice %arg8[%multiple_of3A, %dma_wait3A_132] : memref<10000x128xf32, #tpu.memory_space<hbm>> -> memref<624x128xf32, #tpu.memory_space<hbm>>
          %dma_wait3A_134 = arith.constant 0 : i32
          %dma_wait3A_135 = tpu.memref_slice %arg21[%multiple_of3A, %dma_wait3A_134] : memref<10000x128xf32, #tpu.memory_space<vmem_shared>> -> memref<624x128xf32, #tpu.memory_space<vmem_shared>>
          tpu.wait_dma2 semaphore(%run_scoped3A : memref<!tpu.dma_semaphore, #tpu.memory_space<semaphore_mem>>) src(%dma_wait3A_135 : memref<624x128xf32, #tpu.memory_space<vmem_shared>>) dst(%dma_wait3A_133 : memref<624x128xf32, #tpu.memory_space<hbm>>)
          tpu.yield
        }) : () -> ()
      } else {
      }
      %eq3A_123 = arith.constant 15 : i32
      %eq3A_124 = arith.cmpi eq, %arg1, %eq3A_123 : i32
      %convert_element_type3A_125 = arith.extui %eq3A_124 : i1 to i32
      %cond3A_126 = arith.constant 0 : i32
      %cond3A_127 = arith.cmpi ne, %convert_element_type3A_125, %cond3A_126 : i32
      scf.if %cond3A_127 {
        "tpu.region"() ({
          %run_scoped3A = tpu.sem_alloc : memref<!tpu.dma_semaphore, #tpu.memory_space<semaphore_mem>>
          %dma_start3A_128 = arith.constant 9360 : i32
          %dma_start3A_129 = arith.constant 0 : i32
          %dma_start3A_130 = tpu.memref_slice %arg8[%dma_start3A_128, %dma_start3A_129] : memref<10000x128xf32, #tpu.memory_space<hbm>> -> memref<640x128xf32, #tpu.memory_space<hbm>>
          %dma_start3A_131 = arith.constant 9360 : i32
          %dma_start3A_132 = arith.constant 0 : i32
          %dma_start3A_133 = tpu.memref_slice %arg21[%dma_start3A_131, %dma_start3A_132] : memref<10000x128xf32, #tpu.memory_space<vmem_shared>> -> memref<640x128xf32, #tpu.memory_space<vmem_shared>>
          tpu.enqueue_dma source(%dma_start3A_133 : memref<640x128xf32, #tpu.memory_space<vmem_shared>>) target(%dma_start3A_130 : memref<640x128xf32, #tpu.memory_space<hbm>>) target_semaphore(%run_scoped3A : memref<!tpu.dma_semaphore, #tpu.memory_space<semaphore_mem>>)
          %dma_wait3A_134 = arith.constant 9360 : i32
          %dma_wait3A_135 = arith.constant 0 : i32
          %dma_wait3A_136 = tpu.memref_slice %arg8[%dma_wait3A_134, %dma_wait3A_135] : memref<10000x128xf32, #tpu.memory_space<hbm>> -> memref<640x128xf32, #tpu.memory_space<hbm>>
          %dma_wait3A_137 = arith.constant 9360 : i32
          %dma_wait3A_138 = arith.constant 0 : i32
          %dma_wait3A_139 = tpu.memref_slice %arg21[%dma_wait3A_137, %dma_wait3A_138] : memref<10000x128xf32, #tpu.memory_space<vmem_shared>> -> memref<640x128xf32, #tpu.memory_space<vmem_shared>>
          tpu.wait_dma2 semaphore(%run_scoped3A : memref<!tpu.dma_semaphore, #tpu.memory_space<semaphore_mem>>) src(%dma_wait3A_139 : memref<640x128xf32, #tpu.memory_space<vmem_shared>>) dst(%dma_wait3A_136 : memref<640x128xf32, #tpu.memory_space<hbm>>)
          tpu.yield
        }) : () -> ()
      } else {
      }
    } else {
    }
    return
  }
}

module attributes {stable_mosaic.version = 14 : i64} {
  func.func @_mm_body(%arg0: i32, %arg1: memref<2000x128xf32, #tpu.memory_space<vmem>>, %arg2: memref<128x128xf32, #tpu.memory_space<vmem>>, %arg3: memref<1x128xf32, #tpu.memory_space<vmem>>, %arg4: memref<128x64xf32, #tpu.memory_space<vmem>>, %arg5: memref<1x64xf32, #tpu.memory_space<vmem>>, %arg6: memref<128x64xf32, #tpu.memory_space<vmem>>, %arg7: memref<1x64xf32, #tpu.memory_space<vmem>>, %arg8: memref<128x64xf32, #tpu.memory_space<vmem>>, %arg9: memref<1x64xf32, #tpu.memory_space<vmem>>, %arg10: memref<128x64xf32, #tpu.memory_space<vmem>>, %arg11: memref<1x64xf32, #tpu.memory_space<vmem>>, %arg12: memref<128x128xf32, #tpu.memory_space<vmem>>, %arg13: memref<1x128xf32, #tpu.memory_space<vmem>>, %arg14: memref<2000x128xf32, #tpu.memory_space<vmem>>, %arg15: memref<2000x128xi32, #tpu.memory_space<vmem>>, %arg16: memref<2000x128xf32, #tpu.memory_space<vmem>>) attributes {dimension_semantics = [#tpu.dimension_semantics<arbitrary>], iteration_bounds = array<i64: 5>, scalar_prefetch = 0 : i64, scratch_operands = 0 : i64, tpu.core_type = #tpu.core_type<tc>, window_params = [{transform_indices = @transform_0, window_bounds = array<i64: 2000, 128>}, {pipeline_mode = #tpu.pipeline_mode<synchronous>, transform_indices = @transform_1, window_bounds = array<i64: 128, 128>}, {pipeline_mode = #tpu.pipeline_mode<synchronous>, transform_indices = @transform_2, window_bounds = array<i64: 1, 128>}, {pipeline_mode = #tpu.pipeline_mode<synchronous>, transform_indices = @transform_3, window_bounds = array<i64: 128, 64>}, {pipeline_mode = #tpu.pipeline_mode<synchronous>, transform_indices = @transform_4, window_bounds = array<i64: 1, 64>}, {pipeline_mode = #tpu.pipeline_mode<synchronous>, transform_indices = @transform_5, window_bounds = array<i64: 128, 64>}, {pipeline_mode = #tpu.pipeline_mode<synchronous>, transform_indices = @transform_6, window_bounds = array<i64: 1, 64>}, {pipeline_mode = #tpu.pipeline_mode<synchronous>, transform_indices = @transform_7, window_bounds = array<i64: 128, 64>}, {pipeline_mode = #tpu.pipeline_mode<synchronous>, transform_indices = @transform_8, window_bounds = array<i64: 1, 64>}, {pipeline_mode = #tpu.pipeline_mode<synchronous>, transform_indices = @transform_9, window_bounds = array<i64: 128, 64>}, {pipeline_mode = #tpu.pipeline_mode<synchronous>, transform_indices = @transform_10, window_bounds = array<i64: 1, 64>}, {pipeline_mode = #tpu.pipeline_mode<synchronous>, transform_indices = @transform_11, window_bounds = array<i64: 128, 128>}, {pipeline_mode = #tpu.pipeline_mode<synchronous>, transform_indices = @transform_12, window_bounds = array<i64: 1, 128>}, {transform_indices = @transform_13, window_bounds = array<i64: 2000, 128>}, {transform_indices = @transform_14, window_bounds = array<i64: 2000, 128>}, {transform_indices = @transform_15, window_bounds = array<i64: 2000, 128>}]} {
    %get3A = arith.constant 0 : index
    %get3A_0 = arith.constant 0 : index
    %get3A_1 = vector.load %arg1[%get3A, %get3A_0] : memref<2000x128xf32, #tpu.memory_space<vmem>>, vector<2000x128xf32>
    %get3A_2 = arith.constant 0 : index
    %get3A_3 = arith.constant 0 : index
    %get3A_4 = vector.load %arg2[%get3A_2, %get3A_3] : memref<128x128xf32, #tpu.memory_space<vmem>>, vector<128x128xf32>
    %dot_general3A = arith.constant dense<0.000000e+00> : vector<2000x128xf32>
    %dot_general3A_5 = tpu.matmul %get3A_1, %get3A_4, %dot_general3A {dimension_numbers = #tpu.dot_dimension_numbers<[1], [0], [0], [1], [0, 0, 1, 1], [], []>, transpose_lhs_hint = false} : vector<2000x128xf32>, vector<128x128xf32>, vector<2000x128xf32> -> vector<2000x128xf32>
    %get3A_6 = arith.constant 0 : index
    %get3A_7 = arith.constant 0 : index
    %get3A_8 = vector.load %arg3[%get3A_6, %get3A_7] : memref<1x128xf32, #tpu.memory_space<vmem>>, vector<1x128xf32>
    %add3A = vector.broadcast %get3A_8 : vector<1x128xf32> to vector<2000x128xf32>
    %add3A_9 = arith.addf %dot_general3A_5, %add3A : vector<2000x128xf32>
    %neg3A = arith.constant 0.000000e+00 : f32
    %neg3A_10 = vector.broadcast %neg3A : f32 to vector<2000x128xf32>
    %neg3A_11 = arith.subf %neg3A_10, %add3A_9 : vector<2000x128xf32>
    %swap3A = arith.constant 0 : index
    %swap3A_12 = arith.constant 0 : index
    %swap3A_13 = vector.load %arg14[%swap3A, %swap3A_12] : memref<2000x128xf32, #tpu.memory_space<vmem>>, vector<2000x128xf32>
    tpu.vector_store %arg14[%swap3A, %swap3A_12], %neg3A_11 {strides = array<i32>} : memref<2000x128xf32, #tpu.memory_space<vmem>>, vector<2000x128xf32>,
    %get3A_14 = arith.constant 0 : index
    %get3A_15 = arith.constant 0 : index
    %get3A_16 = vector.load %arg4[%get3A_14, %get3A_15] : memref<128x64xf32, #tpu.memory_space<vmem>>, vector<128x64xf32>
    %dot_general3A_17 = arith.constant dense<0.000000e+00> : vector<2000x64xf32>
    %dot_general3A_18 = tpu.matmul %get3A_1, %get3A_16, %dot_general3A_17 {dimension_numbers = #tpu.dot_dimension_numbers<[1], [0], [0], [1], [0, 0, 1, 1], [], []>, transpose_lhs_hint = false} : vector<2000x128xf32>, vector<128x64xf32>, vector<2000x64xf32> -> vector<2000x64xf32>
    %get3A_19 = arith.constant 0 : index
    %get3A_20 = arith.constant 0 : index
    %get3A_21 = vector.load %arg5[%get3A_19, %get3A_20] : memref<1x64xf32, #tpu.memory_space<vmem>>, vector<1x64xf32>
    %add3A_22 = vector.broadcast %get3A_21 : vector<1x64xf32> to vector<2000x64xf32>
    %add3A_23 = arith.addf %dot_general3A_18, %add3A_22 : vector<2000x64xf32>
    %get3A_24 = arith.constant 0 : index
    %get3A_25 = arith.constant 0 : index
    %get3A_26 = vector.load %arg6[%get3A_24, %get3A_25] : memref<128x64xf32, #tpu.memory_space<vmem>>, vector<128x64xf32>
    %dot_general3A_27 = arith.constant dense<0.000000e+00> : vector<2000x64xf32>
    %dot_general3A_28 = tpu.matmul %get3A_1, %get3A_26, %dot_general3A_27 {dimension_numbers = #tpu.dot_dimension_numbers<[1], [0], [0], [1], [0, 0, 1, 1], [], []>, transpose_lhs_hint = false} : vector<2000x128xf32>, vector<128x64xf32>, vector<2000x64xf32> -> vector<2000x64xf32>
    %get3A_29 = arith.constant 0 : index
    %get3A_30 = arith.constant 0 : index
    %get3A_31 = vector.load %arg7[%get3A_29, %get3A_30] : memref<1x64xf32, #tpu.memory_space<vmem>>, vector<1x64xf32>
    %add3A_32 = vector.broadcast %get3A_31 : vector<1x64xf32> to vector<2000x64xf32>
    %add3A_33 = arith.addf %dot_general3A_28, %add3A_32 : vector<2000x64xf32>
    %get3A_34 = arith.constant 0 : index
    %get3A_35 = arith.constant 0 : index
    %get3A_36 = vector.load %arg8[%get3A_34, %get3A_35] : memref<128x64xf32, #tpu.memory_space<vmem>>, vector<128x64xf32>
    %dot_general3A_37 = arith.constant dense<0.000000e+00> : vector<2000x64xf32>
    %dot_general3A_38 = tpu.matmul %get3A_1, %get3A_36, %dot_general3A_37 {dimension_numbers = #tpu.dot_dimension_numbers<[1], [0], [0], [1], [0, 0, 1, 1], [], []>, transpose_lhs_hint = false} : vector<2000x128xf32>, vector<128x64xf32>, vector<2000x64xf32> -> vector<2000x64xf32>
    %get3A_39 = arith.constant 0 : index
    %get3A_40 = arith.constant 0 : index
    %get3A_41 = vector.load %arg9[%get3A_39, %get3A_40] : memref<1x64xf32, #tpu.memory_space<vmem>>, vector<1x64xf32>
    %add3A_42 = vector.broadcast %get3A_41 : vector<1x64xf32> to vector<2000x64xf32>
    %add3A_43 = arith.addf %dot_general3A_38, %add3A_42 : vector<2000x64xf32>
    %get3A_44 = arith.constant 0 : index
    %get3A_45 = arith.constant 0 : index
    %get3A_46 = vector.load %arg10[%get3A_44, %get3A_45] : memref<128x64xf32, #tpu.memory_space<vmem>>, vector<128x64xf32>
    %dot_general3A_47 = arith.constant dense<0.000000e+00> : vector<2000x64xf32>
    %dot_general3A_48 = tpu.matmul %get3A_1, %get3A_46, %dot_general3A_47 {dimension_numbers = #tpu.dot_dimension_numbers<[1], [0], [0], [1], [0, 0, 1, 1], [], []>, transpose_lhs_hint = false} : vector<2000x128xf32>, vector<128x64xf32>, vector<2000x64xf32> -> vector<2000x64xf32>
    %get3A_49 = arith.constant 0 : index
    %get3A_50 = arith.constant 0 : index
    %get3A_51 = vector.load %arg11[%get3A_49, %get3A_50] : memref<1x64xf32, #tpu.memory_space<vmem>>, vector<1x64xf32>
    %add3A_52 = vector.broadcast %get3A_51 : vector<1x64xf32> to vector<2000x64xf32>
    %add3A_53 = arith.addf %dot_general3A_48, %add3A_52 : vector<2000x64xf32>
    %convert_element_type3A = arith.truncf %add3A_23 : vector<2000x64xf32> to vector<2000x64xbf16>
    %convert_element_type3A_54 = arith.extf %convert_element_type3A : vector<2000x64xbf16> to vector<2000x64xf32>
    %bitcast_convert_type3A = tpu.bitcast %convert_element_type3A_54 : vector<2000x64xf32> -> vector<2000x64xi32>
    %shift_right_logical3A = arith.constant 16 : i32
    %shift_right_logical3A_55 = vector.broadcast %shift_right_logical3A : i32 to vector<2000x64xi32>
    %shift_right_logical3A_56 = arith.shrui %bitcast_convert_type3A, %shift_right_logical3A_55 : vector<2000x64xi32>
    %convert_element_type3A_57 = arith.truncf %add3A_33 : vector<2000x64xf32> to vector<2000x64xbf16>
    %convert_element_type3A_58 = arith.extf %convert_element_type3A_57 : vector<2000x64xbf16> to vector<2000x64xf32>
    %bitcast_convert_type3A_59 = tpu.bitcast %convert_element_type3A_58 : vector<2000x64xf32> -> vector<2000x64xi32>
    %shift_right_logical3A_60 = arith.constant 16 : i32
    %shift_right_logical3A_61 = vector.broadcast %shift_right_logical3A_60 : i32 to vector<2000x64xi32>
    %shift_right_logical3A_62 = arith.shrui %bitcast_convert_type3A_59, %shift_right_logical3A_61 : vector<2000x64xi32>
    %shift_left3A = arith.constant 16 : i32
    %shift_left3A_63 = vector.broadcast %shift_left3A : i32 to vector<2000x64xi32>
    %shift_left3A_64 = arith.shli %shift_right_logical3A_62, %shift_left3A_63 : vector<2000x64xi32>
    %or3A = arith.ori %shift_right_logical3A_56, %shift_left3A_64 : vector<2000x64xi32>
    %convert_element_type3A_65 = arith.truncf %add3A_43 : vector<2000x64xf32> to vector<2000x64xbf16>
    %convert_element_type3A_66 = arith.extf %convert_element_type3A_65 : vector<2000x64xbf16> to vector<2000x64xf32>
    %bitcast_convert_type3A_67 = tpu.bitcast %convert_element_type3A_66 : vector<2000x64xf32> -> vector<2000x64xi32>
    %shift_right_logical3A_68 = arith.constant 16 : i32
    %shift_right_logical3A_69 = vector.broadcast %shift_right_logical3A_68 : i32 to vector<2000x64xi32>
    %shift_right_logical3A_70 = arith.shrui %bitcast_convert_type3A_67, %shift_right_logical3A_69 : vector<2000x64xi32>
    %convert_element_type3A_71 = arith.truncf %add3A_53 : vector<2000x64xf32> to vector<2000x64xbf16>
    %convert_element_type3A_72 = arith.extf %convert_element_type3A_71 : vector<2000x64xbf16> to vector<2000x64xf32>
    %bitcast_convert_type3A_73 = tpu.bitcast %convert_element_type3A_72 : vector<2000x64xf32> -> vector<2000x64xi32>
    %shift_right_logical3A_74 = arith.constant 16 : i32
    %shift_right_logical3A_75 = vector.broadcast %shift_right_logical3A_74 : i32 to vector<2000x64xi32>
    %shift_right_logical3A_76 = arith.shrui %bitcast_convert_type3A_73, %shift_right_logical3A_75 : vector<2000x64xi32>
    %shift_left3A_77 = arith.constant 16 : i32
    %shift_left3A_78 = vector.broadcast %shift_left3A_77 : i32 to vector<2000x64xi32>
    %shift_left3A_79 = arith.shli %shift_right_logical3A_76, %shift_left3A_78 : vector<2000x64xi32>
    %or3A_80 = arith.ori %shift_right_logical3A_70, %shift_left3A_79 : vector<2000x64xi32>
    %concatenate3A = tpu.concatenate %or3A, %or3A_80 in 1 : vector<2000x64xi32>, vector<2000x64xi32> -> vector<2000x128xi32>
    %swap3A_81 = arith.constant 0 : index
    %swap3A_82 = arith.constant 0 : index
    %swap3A_83 = vector.load %arg15[%swap3A_81, %swap3A_82] : memref<2000x128xi32, #tpu.memory_space<vmem>>, vector<2000x128xi32>
    tpu.vector_store %arg15[%swap3A_81, %swap3A_82], %concatenate3A {strides = array<i32>} : memref<2000x128xi32, #tpu.memory_space<vmem>>, vector<2000x128xi32>,
    %get3A_84 = arith.constant 0 : index
    %get3A_85 = arith.constant 0 : index
    %get3A_86 = vector.load %arg12[%get3A_84, %get3A_85] : memref<128x128xf32, #tpu.memory_space<vmem>>, vector<128x128xf32>
    %dot_general3A_87 = arith.constant dense<0.000000e+00> : vector<2000x128xf32>
    %dot_general3A_88 = tpu.matmul %get3A_1, %get3A_86, %dot_general3A_87 {dimension_numbers = #tpu.dot_dimension_numbers<[1], [0], [0], [1], [0, 0, 1, 1], [], []>, transpose_lhs_hint = false} : vector<2000x128xf32>, vector<128x128xf32>, vector<2000x128xf32> -> vector<2000x128xf32>
    %get3A_89 = arith.constant 0 : index
    %get3A_90 = arith.constant 0 : index
    %get3A_91 = vector.load %arg13[%get3A_89, %get3A_90] : memref<1x128xf32, #tpu.memory_space<vmem>>, vector<1x128xf32>
    %add3A_92 = vector.broadcast %get3A_91 : vector<1x128xf32> to vector<2000x128xf32>
    %add3A_93 = arith.addf %dot_general3A_88, %add3A_92 : vector<2000x128xf32>
    %mul3A = arith.constant 5.000000e-01 : f32
    %mul3A_94 = vector.broadcast %mul3A : f32 to vector<2000x128xf32>
    %mul3A_95 = arith.mulf %add3A_93, %mul3A_94 : vector<2000x128xf32>
    %swap3A_96 = arith.constant 0 : index
    %swap3A_97 = arith.constant 0 : index
    %swap3A_98 = vector.load %arg16[%swap3A_96, %swap3A_97] : memref<2000x128xf32, #tpu.memory_space<vmem>>, vector<2000x128xf32>
    tpu.vector_store %arg16[%swap3A_96, %swap3A_97], %mul3A_95 {strides = array<i32>} : memref<2000x128xf32, #tpu.memory_space<vmem>>, vector<2000x128xf32>,
    return
  }
  func.func @transform_0(%arg0: i32) -> (i32, i32) {
    %c0_i32 = arith.constant 0 : i32
    %c0_i32_0 = arith.constant 0 : i32
    return %arg0, %c0_i32 : i32, i32
  }
  func.func @transform_1(%arg0: i32) -> (i32, i32) {
    %c0_i32 = arith.constant 0 : i32
    %c0_i32_0 = arith.constant 0 : i32
    %c0_i32_1 = arith.constant 0 : i32
    return %c0_i32, %c0_i32_0 : i32, i32
  }
  func.func @transform_2(%arg0: i32) -> (i32, i32) {
    %c0_i32 = arith.constant 0 : i32
    %c0_i32_0 = arith.constant 0 : i32
    %c0_i32_1 = arith.constant 0 : i32
    return %c0_i32, %c0_i32_0 : i32, i32
  }
  func.func @transform_3(%arg0: i32) -> (i32, i32) {
    %c0_i32 = arith.constant 0 : i32
    %c0_i32_0 = arith.constant 0 : i32
    %c0_i32_1 = arith.constant 0 : i32
    return %c0_i32, %c0_i32_0 : i32, i32
  }
  func.func @transform_4(%arg0: i32) -> (i32, i32) {
    %c0_i32 = arith.constant 0 : i32
    %c0_i32_0 = arith.constant 0 : i32
    %c0_i32_1 = arith.constant 0 : i32
    return %c0_i32, %c0_i32_0 : i32, i32
  }
  func.func @transform_5(%arg0: i32) -> (i32, i32) {
    %c0_i32 = arith.constant 0 : i32
    %c0_i32_0 = arith.constant 0 : i32
    %c0_i32_1 = arith.constant 0 : i32
    return %c0_i32, %c0_i32_0 : i32, i32
  }
  func.func @transform_6(%arg0: i32) -> (i32, i32) {
    %c0_i32 = arith.constant 0 : i32
    %c0_i32_0 = arith.constant 0 : i32
    %c0_i32_1 = arith.constant 0 : i32
    return %c0_i32, %c0_i32_0 : i32, i32
  }
  func.func @transform_7(%arg0: i32) -> (i32, i32) {
    %c0_i32 = arith.constant 0 : i32
    %c0_i32_0 = arith.constant 0 : i32
    %c0_i32_1 = arith.constant 0 : i32
    return %c0_i32, %c0_i32_0 : i32, i32
  }
  func.func @transform_8(%arg0: i32) -> (i32, i32) {
    %c0_i32 = arith.constant 0 : i32
    %c0_i32_0 = arith.constant 0 : i32
    %c0_i32_1 = arith.constant 0 : i32
    return %c0_i32, %c0_i32_0 : i32, i32
  }
  func.func @transform_9(%arg0: i32) -> (i32, i32) {
    %c0_i32 = arith.constant 0 : i32
    %c0_i32_0 = arith.constant 0 : i32
    %c0_i32_1 = arith.constant 0 : i32
    return %c0_i32, %c0_i32_0 : i32, i32
  }
  func.func @transform_10(%arg0: i32) -> (i32, i32) {
    %c0_i32 = arith.constant 0 : i32
    %c0_i32_0 = arith.constant 0 : i32
    %c0_i32_1 = arith.constant 0 : i32
    return %c0_i32, %c0_i32_0 : i32, i32
  }
  func.func @transform_11(%arg0: i32) -> (i32, i32) {
    %c0_i32 = arith.constant 0 : i32
    %c0_i32_0 = arith.constant 0 : i32
    %c0_i32_1 = arith.constant 0 : i32
    return %c0_i32, %c0_i32_0 : i32, i32
  }
  func.func @transform_12(%arg0: i32) -> (i32, i32) {
    %c0_i32 = arith.constant 0 : i32
    %c0_i32_0 = arith.constant 0 : i32
    %c0_i32_1 = arith.constant 0 : i32
    return %c0_i32, %c0_i32_0 : i32, i32
  }
  func.func @transform_13(%arg0: i32) -> (i32, i32) {
    %c0_i32 = arith.constant 0 : i32
    %c0_i32_0 = arith.constant 0 : i32
    return %arg0, %c0_i32 : i32, i32
  }
  func.func @transform_14(%arg0: i32) -> (i32, i32) {
    %c0_i32 = arith.constant 0 : i32
    %c0_i32_0 = arith.constant 0 : i32
    return %arg0, %c0_i32 : i32, i32
  }
  func.func @transform_15(%arg0: i32) -> (i32, i32) {
    %c0_i32 = arith.constant 0 : i32
    %c0_i32_0 = arith.constant 0 : i32
    return %arg0, %c0_i32 : i32, i32
  }
}

module attributes {stable_mosaic.version = 14 : i64} {
  func.func @_add_body(%arg0: i32, %arg1: memref<2000x128xf32, #tpu.memory_space<vmem>>, %arg2: memref<2000x128xf32, #tpu.memory_space<vmem>>, %arg3: memref<2000x128xf32, #tpu.memory_space<vmem>>) attributes {dimension_semantics = [#tpu.dimension_semantics<arbitrary>], iteration_bounds = array<i64: 5>, scalar_prefetch = 0 : i64, scratch_operands = 0 : i64, tpu.core_type = #tpu.core_type<tc>, window_params = [{transform_indices = @transform_0, window_bounds = array<i64: 2000, 128>}, {transform_indices = @transform_1, window_bounds = array<i64: 2000, 128>}, {transform_indices = @transform_2, window_bounds = array<i64: 2000, 128>}]} {
    %get3A = arith.constant 0 : index
    %get3A_0 = arith.constant 0 : index
    %get3A_1 = vector.load %arg1[%get3A, %get3A_0] : memref<2000x128xf32, #tpu.memory_space<vmem>>, vector<2000x128xf32>
    %get3A_2 = arith.constant 0 : index
    %get3A_3 = arith.constant 0 : index
    %get3A_4 = vector.load %arg2[%get3A_2, %get3A_3] : memref<2000x128xf32, #tpu.memory_space<vmem>>, vector<2000x128xf32>
    %add3A = arith.addf %get3A_1, %get3A_4 : vector<2000x128xf32>
    %swap3A = arith.constant 0 : index
    %swap3A_5 = arith.constant 0 : index
    %swap3A_6 = vector.load %arg3[%swap3A, %swap3A_5] : memref<2000x128xf32, #tpu.memory_space<vmem>>, vector<2000x128xf32>
    tpu.vector_store %arg3[%swap3A, %swap3A_5], %add3A {strides = array<i32>} : memref<2000x128xf32, #tpu.memory_space<vmem>>, vector<2000x128xf32>,
    return
  }
  func.func @transform_0(%arg0: i32) -> (i32, i32) {
    %c0_i32 = arith.constant 0 : i32
    %c0_i32_0 = arith.constant 0 : i32
    return %arg0, %c0_i32 : i32, i32
  }
  func.func @transform_1(%arg0: i32) -> (i32, i32) {
    %c0_i32 = arith.constant 0 : i32
    %c0_i32_0 = arith.constant 0 : i32
    return %arg0, %c0_i32 : i32, i32
  }
  func.func @transform_2(%arg0: i32) -> (i32, i32) {
    %c0_i32 = arith.constant 0 : i32
    %c0_i32_0 = arith.constant 0 : i32
    return %arg0, %c0_i32 : i32, i32
  }
}

</mosaic_0001>

<sc_bundles>
// kernel: kernel.5.cloned.1.call-start
scs
__scs_entry_jumppad:
0x0: {  	(pc) =	sbr.rel $0x88, $3  }
0x1: {  	(tag) =	ssettag $0x0;
	lr =	simm.s32 $0x1  }
0x2: {  	[smem:$0x3F97] =	sst lr;
	_ =	strace $0xD0000000  }
0x3: {  	_ = 	snop  }
0x4: {  	_ = 	snop  }
0x5: {  	_ = 	snop  }
0x6: {  	_ = 	snop  }
0x7: {  	_ = 	snop  }
__scs_overlays_trampoline_lowered:
0x8: {  	[smem:$0x3FA6] =	sst s0  }
0x9: {  	[smem:$0x3FA7] =	sst s1  }
0xa: {  	[smem:$0x3FA8] =	sst s2  }
0xb: {  	[smem:$0x3FA9] =	sst s3  }
0xc: {  	[smem:$0x3FAA] =	sst s4  }
0xd: {  	[smem:$0x3FAB] =	sst s5  }
0xe: {  	[smem:$0x3FAC] =	sst s6  }
0xf: {  	[smem:$0x3FAD] =	sst s7  }
0x10: {  	[smem:$0x3FAE] =	sst s8  }
0x11: {  	[smem:$0x3FAF] =	sst s9;
	s0 =	simm.s32 @!p0 $0x0  }
0x12: {  	s1 =	sld [smem:$0x3F95];
	s0 =	simm.s32 @p0 $0x1  }
0x13: {  	[smem:$0x3FB0] =	sst s0;
	s0 =	simm.s32 @!p1 $0x0  }
0x14: {  	s2 =	sld [smem:$0x3F94];
	s0 =	simm.s32 @p1 $0x1  }
0x15: {  	[smem:$0x3FB1] =	sst s0;
	s0 =	simm.s32 @!p2 $0x0  }
0x16: {  	s3 =	sld [smem:$0x3FDB];
	s0 =	simm.s32 @p2 $0x1  }
0x17: {  	s4 =	simm.s32 $0x1BF5;
	[smem:$0x3FB3] =	sst s0  }
0x18: {  	s0 =	sld [smem:$0x3F96];
	_ =	swait.ge [sflag:s4], $0x0  }
0x19: {  	s7 =	sld [smem:$0x3F97]  }
0x1a: {  	s8 =	sadd.s32 $0xFFFFE003, lr  }
0x1b: {  	s9 =	sadd.s32 $0xFFFFFEF7, lr;
	s5 =	simm.s32 $0xFFFFFFFF;
	p2 =	slt.u32 s8, $0xFFFFF086  }
0x1c: {  	p1 =	slt.u32 s9, $0xF7A;
	s5 =	simm.s32 @!p2 $0x0  }
0x1d: {  	s5 =	simm.s32 @p1 $0x1;
	p0 =	seq.s32 s7, s2  }
0x1e: {  	s7 =	smul.u32 @!p0 $0xF7A, s2;
	p2 =	seq.s32 @!p0 s5, $0x0  }
0x1f: {  	s9 =	smul.u32 $0xF7A, s1;
	s8 =	simm.s32 @!p0 $0x1BF5;
	p2 =	por !p2, p0  }
0x20: {  	[sflag:s8] =	ssyncset.s32 @!p0 $0xFFFFF086;
	s6 =	sadd.s32 @!p0 s3, s7;
	s7 =	simm.s32 @!p0 $0x108  }
0x21: {  	s3 =	sadd.s32 s3, s9;
	s6 =	sadd.s32 @!p0 $0x88, s6;
	s7 =	simm.s32 @p2 $0x1082  }
0x22: {  	[simem:s7], [sflag:s8] =	dma.local @!p0 [hbm:s6], $0xF7A  }
0x23: {  	s9 =	sor.u32 $0xD0000000, s2;
	s6 =	simm.s32 $0x108;
	_ =	swait.ge @!p0 [sflag:s8], $0x0  }
0x24: {  	s3 =	sadd.s32 $0x88, s3;
	s6 =	simm.s32 @!p1 $0x1082;
	[sflag:s4] =	ssyncset.s32 $0xFFFFF086  }
0x25: {  	[simem:s6], [sflag:s4] =	dma.local [hbm:s3], $0xF7A  }
0x26: {  	[smem:$0x3F97] =	sst s1;
	(tag) =	ssettag s2;
	_ =	strace s9  }
0x27: {  	s1 =	sld [smem:$0x3FA7]  }
0x28: {  	s2 =	sld [smem:$0x3FA8]  }
0x29: {  	s4 =	sld [smem:$0x3FAA]  }
0x2a: {  	p0 =	seq.s32 s5, $0x0;
	s5 =	sld [smem:$0x3FAB]  }
0x2b: {  	s6 =	sld [smem:$0x3FAC]  }
0x2c: {  	s7 =	sld [smem:$0x3FAD]  }
0x2d: {  	s3 =	simm.s32 $0x108;
	s8 =	sld [smem:$0x3FAE]  }
0x2e: {  	s3 =	simm.s32 @!p0 $0x1082;
	s9 =	sld [smem:$0x3FAF]  }
0x2f: {  	lr =	sadd.s32 s0, s3;
	s0 =	sld [smem:$0x3FA6]  }
0x30: {  	s3 =	sld [smem:$0x3FA9]  }
0x31: {  	[smem:$0x3FB2] =	sst s10  }
0x32: {  	s10 =	sld [smem:$0x3FB0];
	_ =	sdelay $0x3  }
0x33: {  	p0 =	seq.s32 s10, $0x1;
	s10 =	sld [smem:$0x3FB2];
	_ =	sdelay $0x3  }
0x34: {  	[smem:$0x3FB2] =	sst s10  }
0x35: {  	s10 =	sld [smem:$0x3FB1];
	_ =	sdelay $0x3  }
0x36: {  	p1 =	seq.s32 s10, $0x1;
	s10 =	sld [smem:$0x3FB2];
	_ =	sdelay $0x3  }
0x37: {  	[smem:$0x3FB2] =	sst s10  }
0x38: {  	s10 =	sld [smem:$0x3FB3]  }
0x39: {  	_ = 	snop;
	(pc) =	sbr.ind lr, $3  }
0x3a: {  	_ = 	snop  }
0x3b: {  	_ = 	snop  }
0x3c: {  	p2 =	seq.s32 s10, $0x1;
	s10 =	sld [smem:$0x3FB2]  }
0x3d: {  	_ =	shalt  }
0x3e: {  	_ =	shalt  }
0x3f: {  	_ =	shalt  }
0x40: {  	_ =	shalt  }
0x41: {  	_ =	shalt  }
0x42: {  	_ =	shalt  }
0x43: {  	_ =	shalt  }
0x44: {  	_ =	shalt  }
0x45: {  	_ =	shalt  }
0x46: {  	_ =	shalt  }
0x47: {  	_ =	shalt  }
0x48: {  	_ =	shalt  }
0x49: {  	_ =	shalt  }
0x4a: {  	_ =	shalt  }
0x4b: {  	_ =	shalt  }
0x4c: {  	_ =	shalt  }
0x4d: {  	_ =	shalt  }
0x4e: {  	_ =	shalt  }
0x4f: {  	_ =	shalt  }
0x50: {  	_ =	shalt  }
0x51: {  	_ =	shalt  }
0x52: {  	_ =	shalt  }
0x53: {  	_ =	shalt  }
0x54: {  	_ =	shalt  }
0x55: {  	_ =	shalt  }
0x56: {  	_ =	shalt  }
0x57: {  	_ =	shalt  }
0x58: {  	_ =	shalt  }
0x59: {  	_ =	shalt  }
0x5a: {  	_ =	shalt  }
0x5b: {  	_ =	shalt  }
0x5c: {  	_ =	shalt  }
0x5d: {  	_ =	shalt  }
0x5e: {  	_ =	shalt  }
0x5f: {  	_ =	shalt  }
0x60: {  	_ =	shalt  }
0x61: {  	_ =	shalt  }
0x62: {  	_ =	shalt  }
0x63: {  	_ =	shalt  }
0x64: {  	_ =	shalt  }
0x65: {  	_ =	shalt  }
0x66: {  	_ =	shalt  }
0x67: {  	_ =	shalt  }
0x68: {  	_ =	shalt  }
0x69: {  	_ =	shalt  }
0x6a: {  	_ =	shalt  }
0x6b: {  	_ =	shalt  }
0x6c: {  	_ =	shalt  }
0x6d: {  	_ =	shalt  }
0x6e: {  	_ =	shalt  }
0x6f: {  	_ =	shalt  }
0x70: {  	_ =	shalt  }
0x71: {  	_ =	shalt  }
0x72: {  	_ =	shalt  }
0x73: {  	_ =	shalt  }
0x74: {  	_ =	shalt  }
0x75: {  	_ =	shalt  }
0x76: {  	_ =	shalt  }
0x77: {  	_ =	shalt  }
0x78: {  	_ =	shalt  }
0x79: {  	_ =	shalt  }
0x7a: {  	_ =	shalt  }
0x7b: {  	_ =	shalt  }
0x7c: {  	_ =	shalt  }
0x7d: {  	_ =	shalt  }
0x7e: {  	_ =	shalt  }
0x7f: {  	_ =	shalt  }
0x80: {  	_ =	shalt  }
0x81: {  	_ =	shalt  }
0x82: {  	_ =	shalt  }
0x83: {  	_ =	shalt  }
0x84: {  	_ =	shalt  }
0x85: {  	_ =	shalt  }
0x86: {  	_ =	shalt  }
0x87: {  	_ =	shalt  }
.Lfunc_end0:
.L_simem_size_0:
called_computation_lowered:
.L_overlay_start_0:
0x88: {  	s2 =	sld [smem:$0x3FD9]  }
0x89: {  	s3 =	sld [smem:$0x3FFE];
	_ =	sdelay $0x1  }
0x8a: {  	s1 =	srdreg.scid  }
0x8b: {  	s0 =	sand.u32 $0x1, s1  }
0x8c: {  	s17 =	sshll.u32 s0, $0xA;
	s2 =	sadd.s32 s3, s2  }
0x8d: {  	s2 =	sadd.s32 s2, s17  }
0x8e: {  	[smem:$0x3FBE] =	sst s2  }
0x8f: {  	_ = 	snop  }
0x90: {  	s2 =	sld [smem:$0x3FD0];
	(tm) =	ssettm $0x1  }
0x91: {  	s18 =	sld [smem:$0x3FFB];
	_ =	sdelay $0x3  }
0x92: {  	_ =	strace s18  }
0x93: {  	s3 =	sld [smem:$0x3FFC];
	_ =	sdelay $0x3  }
0x94: {  	_ =	strace s3  }
0x95: {  	s3 =	sld [smem:$0x3FFD];
	_ =	sdelay $0x3  }
0x96: {  	_ =	strace s3  }
0x97: {  	_ =	strace $0x8FFFFFFF  }
0x98: {  	s19 =	sld [smem:$0x3FDB];
	_ =	sdelay $0x1  }
0x99: {  	s4 =	simm.s32 $_scs_section_size  }
0x9a: {  	s5 =	simm.s32 $_size__tile_overlayer_lowered;
	s6 =	simm.s32 $_tile_overlayer_lowered  }
0x9b: {  	s22 =	simm.s32 $0x1BFF;
	s21 =	sshll.u32 s6, $0x1;
	s3 =	sadd.s32 s4, s19  }
0x9c: {  	s7 =	simm.s32 $0x0;
	s20 =	sshll.u32 s5, $0x1;
	s5 =	sadd.s32 s21, s3  }
0x9d: {  	[timem:s7], [sflag:s22] =	dma.local [hbm:s5], s20  }
0x9e: {  	_ =	swait.ge [sflag:s22], s20  }
0x9f: {  	s4 =	ssub.s32 $0x0, s20;
	[sflag:s22] =	ssyncset.done $0x0  }
0xa0: {  	[sflag:s22] =	ssyncadd.s32 s4;
	_ =	sdelay $0x1  }
0xa1: {  	s23 =	simm.s32 $0x1B8B  }
0xa2: {  	_ =	swait.ge [sflag:s23], $0x1  }
0xa3: {  	[sflag:s23] =	ssyncset.done $0x0  }
0xa4: {  	s25 =	simm.s32 $0x1B8E;
	s24 =	sld [smem:$0x3FFE];
	[sflag:s23] =	ssyncadd.s32 $0xFFFFFFFF  }
0xa5: {  	s26 =	simm.s32 $execute0_lowered;
	[smem:$0x3FD2] =	sst s25  }
0xa6: {  	s5 =	sshll.u32 s26, $0x1;
	_ =	strace $0x80000046;
	[dreg:$0x1] =	wrdreg $0xFFFFFFFF  }
0xa7: {  	s28 =	simm.s32 $_size_execute0_lowered;
	s3 =	sadd.s32 s3, s5;
	[dreg:$0x0] =	wrdreg $0x0  }
0xa8: {  	s5 =	sshll.u32 s28, $0x1;
	[dreg:$0x2] =	wrdreg s3  }
0xa9: {  	[dreg:$0x3] =	wrdreg s5  }
0xaa: {  	[dreg:$0x4] =	wrdreg $0xC0  }
0xab: {  	_ =	task [dreg:s7], $0x5FFFF  }
0xac: {  	[dreg:$0x1] =	wrdreg $0xFFFFFFFF  }
0xad: {  	[dreg:$0x0] =	wrdreg $0x60  }
0xae: {  	[dreg:$0x2] =	wrdreg s24  }
0xaf: {  	[dreg:$0x3] =	wrdreg s2  }
0xb0: {  	[dreg:$0x4] =	wrdreg $0x7B000  }
0xb1: {  	[dreg:$0x5] =	wrdreg $0x9  }
0xb2: {  	_ =	task.clear_ibuf [dreg:s7], $0x6FFFF;
	_ =	strace $0x90000046  }
0xb3: {  	s29 =	simm.s32 $0x9;
	_ =	strace $0x80000048  }
0xb4: {  	_ =	swait.ge [sflag:s29], $0x1  }
0xb5: {  	[sflag:s29] =	ssyncadd.s32 $0xFFFFFFFF  }
0xb6: {  	_ =	strace $0x90000048  }
0xb7: {  	_ =	sfence  }
0xb8: {  	s30 =	sld [smem:$0x0];
	_ =	sdelay $0x2  }
0xb9: {  	s31 =	sshll.u32 s1, $0xD;
	s1 =	sshrl.u32 s1, $0x2  }
0xba: {  	s3 =	sand.u32 $0x4000, s31;
	s1 =	sadd.s32 s1, s30  }
0xbb: {  	s0 =	sor.u32 s3, s0;
	s1 =	sshll.u32 s1, $0x11  }
0xbc: {  	s0 =	sor.u32 s1, s0  }
0xbd: {  	s0 =	sadd.s32 $0x8F2B, s0  }
0xbe: {  	[sflag:s0] =	ssyncadd.remote.s32 $0x1  }
0xbf: {  	_ =	sfence.sel $0xFFFF  }
0xc0: {  	[dreg:$0x0] =	wrdreg $0xFFFFFFFF;
	(pc) =	sbr.abs _section_cstart, $3  }
0xc1: {  	[dreg:$0x1] =	wrdreg $0xFFFFFFFF  }
0xc2: {  	_ =	task.clear_ibuf [dreg:s7], $0x2FFFF;
	_ =	strace $0x9FFFFFFF  }
0xc3: {  	(tm) =	ssettm $0x7FFFFFFF  }
tec
execute0_lowered:
.L_overlay_start_1:
0x0: {  	(tag) =	ssettag $0x1  }
0x1: {  	s0 =	rddreg [dreg:$0x0]  }
0x2: {  	s1 =	rddreg [dreg:$0x1]  }
0x3: {  	s2 =	rddreg [dreg:$0x2];
	s3 =	simm.s32 $0x0;
	s7 =	srdreg.scid  }
0x4: {  	s14 =	stileid.u32;
	s28 =	simm.s32 $0x1;
	s29 =	simm.s32 $0x28  }
0x5: {  	s30 =	simm.s32 $0x3F00;
	s31 =	simm.s32 $0x5300;
	s17 =	simm.s32 $0x6700  }
0x6: {  	[smem:$0x7FF] =	sst s3;
	s4 =	sadd.s32 $0x22000, s0;
	s5 =	sadd.s32 $0x2000, s0  }
0x7: {  	s6 =	sadd.s32 $0x42000, s0;
	s7 =	sand.u32 $0x1, s7;
	s8 =	smul.u32 $0x2700, s14  }
0x8: {  	s10 =	sshll.u32 s14, $0xF;
	s11 =	sadd.s32 $0x69200, s0;
	s13 =	smul.u32 $0x4E000, s14  }
0x9: {  	s16 =	sadd.s32 $0x124800, s2;
	s24 =	sadd.s32 $0xB4D00, s0;
	p0 =	sne.s32 s14, $0x0  }
0xa: {  	_ =	strace $0x80000047;
	s9 =	sshll.u32 s7, $0x13;
	[dreg:$0x4] =	wrdreg s11  }
0xb: {  	s18 =	ssub.s32 $0x2, s7;
	p4 =	seq.s32 s7, $0x1;
	[dreg:$0xb] =	wrdreg s24  }
0xc: {  	s24 =	simm.s32 $0x3D80;
	s9 =	sor.u32 s10, s9;
	s8 =	sadd.s32 s8, s0  }
0xd: {  	s19 =	sshrl.u32 s18, $0x1;
	s22 =	sshrl.u32 s13, $0x2;
	s0 =	sadd.s32 $0xDBF00, s0  }
0xe: {  	p2 =	seq.s32 @p4 s14, $0xF;
	p5 =	seq.s32 @!p4 s14, $0xF;
	s13 =	simm.s32 $0x6  }
0xf: {  	s12 =	sshrl.u32 s9, $0x3;
	s10 =	ssub.s32 s18, s19;
	s7 =	sadd.s32 s22, s2  }
0x10: {  	s23 =	sadd.s32 $0x90400, s8;
	s25 =	sadd.s32 $0xB7600, s8;
	[dreg:$0xd] =	wrdreg s0  }
0x11: {  	s0 =	sshrl.u32 @!p0 s2, $0x3;
	s22 =	simm.s32 $0x100;
	p1 =	por !p2, !p4  }
0x12: {  	p2 =	por p2, !p4;
	p3 =	por !p5, p4;
	[dreg:$0x9] =	wrdreg s7  }
0x13: {  	p4 =	por p5, p4;
	s8 =	simm.s32 $0x2;
	[dreg:$0xa] =	wrdreg s23  }
0x14: {  	s20 =	sor.u32 $0x10, s12;
	s15 =	sadd.s32 s5, s12;
	[dreg:$0xc] =	wrdreg s25  }
0x15: {  	s12 =	sadd.s32 s4, s12;
	s26 =	smax.u32 s10, $0x1;
	[dreg:$0xf] =	wrdreg s0  }
.Ltmp0:
0x16: {  	s25 =	simm.s32 $0x3E80;
	[dreg:$0x5] =	wrdreg s15;
	(pc) =	sbr.rel .LBB2_1-.Ltmp0, $4  }
0x17: {  	s0 =	simm.s32 $0x5;
	s23 =	simm.s32 $0x3;
	[dreg:$0x6] =	wrdreg s12  }
0x18: {  	s21 =	sadd.s32 s5, s20;
	s11 =	sadd.s32 s4, s20;
	[dreg:$0xe] =	wrdreg s26  }
0x19: {  	s26 =	simm.s32 $0x3E00;
	s15 =	simm.s32 $0x7;
	[dreg:$0x7] =	wrdreg s21  }
0x1a: {  	s20 =	simm.s32 $0x0;
	[dreg:$0x8] =	wrdreg s11;
	s11 =	simm.s32 $0x2980  }
.LBB2_8:
0x1b: {  	s7 =	simm.s32 $0x4  }
0x1c: {  	_ =	swait.ge [sflag:s7], $0x1400  }
0x1d: {  	[sflag:s7] =	ssyncset.done $0x0  }
0x1e: {  	s19 =	simm.s32 $0x8;
	[sflag:s7] =	ssyncadd.s32 $0xFFFFEC00  }
0x1f: {  	_ =	swait.ge [sflag:s19], $0x1400  }
0x20: {  	[sflag:s19] =	ssyncset.done $0x0  }
0x21: {  	[sflag:s19] =	ssyncadd.s32 $0xFFFFEC00  }
0x22: {  	[bflag:$0x0] =	sbarrier.arrive $0xFFFF  }
0x23: {  	s10 =	simm.s32 @!p1 $0x1FC9;
	s7 =	sshrl.u32 @!p1 s16, $0x3;
	s12 =	rddreg [dreg:$0xd]  }
0x24: {  	[hbm:s12], [sflag:s10] =	dma.local @!p1 [spmem:s7], $0x2800  }
0x25: {  	s7 =	simm.s32 @!p1 $0x9  }
0x26: {  	_ =	swait.ge @!p1 [sflag:s7], $0x2800  }
0x27: {  	s12 =	stileid.u32;
	s14 =	rddreg [dreg:$0x9]  }
0x28: {  	s10 =	sshll.u32 @!p2 s12, $0x6;
	[sflag:s7] =	ssyncset.done @!p1 $0x0;
	s18 =	rddreg [dreg:$0xc]  }
0x29: {  	[sflag:s7] =	ssyncadd.s32 @!p1 $0xFFFFD800;
	s7 =	sor.u32 @!p2 $0x1C09, s10;
	s10 =	sshrl.u32 @!p2 s14, $0x3  }
0x2a: {  	[hbm:s18], [sflag:s7] =	dma.local @!p2 [spmem:s10], $0x2700  }
0x2b: {  	s7 =	simm.s32 @!p2 $0x9  }
0x2c: {  	_ =	swait.ge @!p2 [sflag:s7], $0x2700  }
0x2d: {  	s10 =	simm.s32 @!p3 $0x1FC9;
	[sflag:s7] =	ssyncset.done @!p2 $0x0  }
0x2e: {  	s18 =	rddreg [dreg:$0xb];
	[sflag:s7] =	ssyncadd.s32 @!p2 $0xFFFFD900;
	s7 =	sshrl.u32 @!p3 s16, $0x3  }
0x2f: {  	[hbm:s18], [sflag:s10] =	dma.local @!p3 [spmem:s7], $0x2800  }
0x30: {  	s7 =	simm.s32 @!p3 $0x9  }
0x31: {  	_ =	swait.ge @!p3 [sflag:s7], $0x2800  }
0x32: {  	s10 =	sshll.u32 @!p4 s12, $0x6;
	[sflag:s7] =	ssyncset.done @!p3 $0x0;
	s12 =	rddreg [dreg:$0xa]  }
0x33: {  	[sflag:s7] =	ssyncadd.s32 @!p3 $0xFFFFD800;
	s7 =	sor.u32 @!p4 $0x1C09, s10;
	s10 =	sshrl.u32 @!p4 s14, $0x3  }
0x34: {  	[hbm:s12], [sflag:s7] =	dma.local @!p4 [spmem:s10], $0x2700  }
0x35: {  	s7 =	simm.s32 @!p4 $0x9  }
0x36: {  	_ =	swait.ge @!p4 [sflag:s7], $0x2700  }
0x37: {  	s20 =	sadd.s32 $0x1, s20;
	s21 =	rddreg [dreg:$0xe]  }
0x38: {  	p5 =	sne.s32 s20, s21  }
.Ltmp1:
0x39: {  	_ = 	snop;
	(pc) =	sbr.rel @!p5 .LBB2_9-.Ltmp1, $3  }
0x3a: {  	_ =	sdelay $0x1  }
0x3b: {  	[sflag:s7] =	ssyncset.done @!p4 $0x0  }
0x3c: {  	[sflag:s7] =	ssyncadd.s32 @!p4 $0xFFFFD900  }
.LBB2_1:
0x3d: {  	s10 =	rddreg [dreg:$0x4]  }
0x3e: {  	s7 =	simm.s32 @!p0 $0x1C09;
	s12 =	rddreg [dreg:$0xf]  }
0x3f: {  	[spmem:s12], [sflag:s7] =	dma.local @!p0 [hbm:s10], $0x27100  }
0x40: {  	s7 =	simm.s32 @!p0 $0x9  }
0x41: {  	_ =	swait.ge @!p0 [sflag:s7], $0x27100  }
0x42: {  	[sflag:s7] =	ssyncset.done @!p0 $0x0  }
0x43: {  	[sflag:s7] =	ssyncadd.s32 @!p0 $0xFFFD8F00  }
0x44: {  	[bflag:$0x0] =	sbarrier.arrive $0xFFFF  }
0x45: {  	s21 =	rddreg [dreg:$0x5]  }
0x46: {  	[tilespmem:s3], [sflag:$0x1] =	stream.linear.gather [hbm4b:s21+s3], $0x80, $0x38;
	[tilespmem:$0x1B380] =	vst v63  }
0x47: {  	_ = 	snop  }
0x48: {  	[tilespmem:s22], [sflag:$0x1] =	stream.linear.gather [hbm4b:s21+s3], $0x80, $0x38;
	[tilespmem:$0x1B380] =	vst v63  }
0x49: {  	s12 =	simm.s32 $0x80;
	s10 =	rddreg [dreg:$0x6]  }
0x4a: {  	[tilespmem:s12], [sflag:$0x1] =	stream.linear.gather [hbm4b:s10+s3], $0x80, $0x38;
	[tilespmem:$0x1B380] =	vst v63  }
0x4b: {  	s14 =	rddreg [dreg:$0x7]  }
0x4c: {  	[tilespmem:s24], [sflag:$0x5] =	stream.linear.gather [hbm4b:s14+s3], $0x80, $0x38;
	[tilespmem:$0x1B380] =	vst v63  }
0x4d: {  	_ = 	snop  }
0x4e: {  	[tilespmem:s25], [sflag:$0x5] =	stream.linear.gather [hbm4b:s14+s3], $0x80, $0x38;
	[tilespmem:$0x1B380] =	vst v63  }
0x4f: {  	s18 =	rddreg [dreg:$0x8]  }
0x50: {  	[tilespmem:s26], [sflag:$0x5] =	stream.linear.gather [hbm4b:s18+s3], $0x80, $0x38;
	[tilespmem:$0x1B380] =	vst v63  }
0x51: {  	_ =	swait.ge [sflag:s28], $0x80  }
0x52: {  	[sflag:s28] =	ssyncset.done $0x0  }
0x53: {  	[sflag:s28] =	ssyncadd.s32 $0xFFFFFF80  }
0x54: {  	_ =	swait.ge [sflag:s28], $0x80  }
0x55: {  	[sflag:s28] =	ssyncset.done $0x0  }
0x56: {  	[sflag:s28] =	ssyncadd.s32 $0xFFFFFF80  }
0x57: {  	_ =	swait.ge [sflag:s28], $0x80  }
0x58: {  	[sflag:s28] =	ssyncset.done $0x0  }
0x59: {  	s19 =	simm.s32 $0x180;
	[sflag:s28] =	ssyncadd.s32 $0xFFFFFF80  }
0x5a: {  	[tilespmem:s19], [sflag:$0x2] =	stream.indirect.gather [hbm4b:s1+s29], $0x80, s3, s29, $0xb8;
	[tilespmem:$0x1B380] =	vst v63  }
0x5b: {  	s21 =	simm.s32 $0x1580  }
0x5c: {  	[tilespmem:s21], [sflag:$0x3] =	stream.indirect.gather [hbm4b:s6+s29], $0x80, s12, s29, $0xb8;
	[tilespmem:$0x1B380] =	vst v63  }
0x5d: {  	s21 =	simm.s32 $0x0  }
.LBB2_2:
0x5e: {  	_ =	swait.ge [sflag:s0], $0x80  }
0x5f: {  	[sflag:s0] =	ssyncset.done $0x0  }
0x60: {  	[sflag:s0] =	ssyncadd.s32 $0xFFFFFF80  }
0x61: {  	_ =	swait.ge [sflag:s0], $0x80  }
0x62: {  	[sflag:s0] =	ssyncset.done $0x0  }
0x63: {  	[sflag:s0] =	ssyncadd.s32 $0xFFFFFF80  }
0x64: {  	_ =	swait.ge [sflag:s0], $0x80  }
0x65: {  	[sflag:s0] =	ssyncset.done $0x0  }
0x66: {  	[sflag:s0] =	ssyncadd.s32 $0xFFFFFF80  }
0x67: {  	[tilespmem:s30], [sflag:$0x6] =	stream.indirect.gather [hbm4b:s1+s29], $0x80, s24, s29, $0xb8;
	[tilespmem:$0x1B380] =	vst v63  }
0x68: {  	_ = 	snop  }
0x69: {  	[tilespmem:s31], [sflag:$0x7] =	stream.indirect.gather [hbm4b:s6+s29], $0x80, s26, s29, $0xb8;
	[tilespmem:$0x1B380] =	vst v63  }
0x6a: {  	_ =	swait.ge [sflag:s8], $0x1400  }
0x6b: {  	[sflag:s8] =	ssyncset.done $0x0  }
0x6c: {  	[sflag:s8] =	ssyncadd.s32 $0xFFFFEC00  }
0x6d: {  	_ =	swait.ge [sflag:s23], $0x1400  }
0x6e: {  	p5 =	seq.s32 s21, $0x0;
	[sflag:s23] =	ssyncset.done $0x0  }
0x6f: {  	s7 =	simm.s32 @!p5 $0x4;
	[sflag:s23] =	ssyncadd.s32 $0xFFFFEC00  }
0x70: {  	_ =	swait.ge @!p5 [sflag:s7], $0x1400  }
0x71: {  	[sflag:s7] =	ssyncset.done @!p5 $0x0  }
0x72: {  	s10 =	simm.s32 $0x0;
	[sflag:s7] =	ssyncadd.s32 @!p5 $0xFFFFEC00  }
0x73: {  	v0 =	vld [tilespmem:s10+$0x15B0]  }
0x74: {  	v1 =	vld [tilespmem:s10+$0x1F0]  }
0x75: {  	v2 =	vld [tilespmem:s10+$0x1580]  }
0x76: {  	v3 =	vld [tilespmem:s10+$0x1590]  }
0x77: {  	v4 =	vld [tilespmem:s10+$0x15A0]  }
0x78: {  	v6 =	vld [tilespmem:s10+$0x180];
	v5 =	vand.u32 $0xFFFF0000, v0  }
0x79: {  	v7 =	vld [tilespmem:s10+$0x1A0];
	v1 =	vsub.f32 v1, v5  }
0x7a: {  	v5 =	vld [tilespmem:s10+$0x190]  }
0x7b: {  	v8 =	vld [tilespmem:s10+$0x1B0];
	v1 =	vmul.f32 $1.442695020e+00, v1  }
0x7c: {  	v10 =	vld [tilespmem:s10+$0x1C0]  }
0x7d: {  	v9 =	vshll.u32 v2, $0x10;
	(erf) = vpow2.f32 v1  }
0x7e: {  	v1 =	vand.u32 $0xFFFF0000, v2;
	v2 =	vsub.f32 v6, v9;
	v6 =	vld [tilespmem:s10+$0x1D0];
	v9 =	vshll.u32 v3, $0x10  }
0x7f: {  	v3 =	vand.u32 $0xFFFF0000, v3;
	v1 =	vsub.f32 v5, v1;
	v7 =	vsub.f32 v7, v9  }
0x80: {  	v11 =	vshll.u32 v4, $0x10;
	v5 =	vld [tilespmem:s10+$0x1E0];
	v3 =	vsub.f32 v8, v3;
	v2 =	vmul.f32 $1.442695020e+00, v2  }
0x81: {  	v8 =	vsub.f32 v10, v11;
	v1 =	vmul.f32 $1.442695020e+00, v1;
	v7 =	vmul.f32 $1.442695020e+00, v7  }
0x82: {  	v4 =	vand.u32 $0xFFFF0000, v4;
	(erf) = vpow2.f32 v2;
	v2 =	vmul.f32 $1.442695020e+00, v3  }
0x83: {  	v3 =	vsub.f32 v6, v4;
	(erf) = vpow2.f32 v1;
	v1 =	vmul.f32 $1.442695020e+00, v8  }
0x84: {  	v0 =	vshll.u32 v0, $0x10;
	(erf) = vpow2.f32 v7  }
0x85: {  	v0 =	vsub.f32 v5, v0;
	v3 =	vmul.f32 $1.442695020e+00, v3;
	(erf) = vpow2.f32 v2  }
0x86: {  	s18 =	simm.s32 $0x80;
	(erf) = vpow2.f32 v1  }
0x87: {  	v0 =	vmul.f32 $1.442695020e+00, v0;
	v1 =	vpop (erf);
	(erf) = vpow2.f32 v3;
	v3 =	vld [tilespmem:s18+$0x15B0]  }
0x88: {  	v4 =	vld [tilespmem:s10+$0x15C0];
	v1 =	vadd.f32 $1.000000000e+00, v1  }
0x89: {  	(erf) = vpow2.f32 v0;
	v0 =	vld [tilespmem:s18+$0x1F0]  }
0x8a: {  	v7 =	vld [tilespmem:s18+$0x1590];
	(erf) = vrcp.f32 v1  }
0x8b: {  	v14 =	vld [tilespmem:s18+$0x180]  }
0x8c: {  	v1 =	vld [tilespmem:s18+$0x1580];
	v6 =	vpop (erf);
	v10 =	vand.u32 $0xFFFF0000, v3  }
0x8d: {  	v16 =	vld [tilespmem:s18+$0x190];
	v8 =	vpop (erf)  }
0x8e: {  	v9 =	vld [tilespmem:s10+$0x15F0];
	v11 =	vshll.u32 v4, $0x10;
	v6 =	vadd.f32 $1.000000000e+00, v6;
	v12 =	vpop (erf);
	v0 =	vsub.f32 v0, v10  }
0x8f: {  	v13 =	vld [tilespmem:s18+$0x15A0];
	v4 =	vand.u32 $0xFFFF0000, v4;
	v19 =	vshll.u32 v7, $0x10;
	v3 =	vshll.u32 v3, $0x10;
	v10 =	vpop (erf)  }
0x90: {  	v18 =	vld [tilespmem:s18+$0x1A0];
	v8 =	vadd.f32 $1.000000000e+00, v8;
	(erf) = vrcp.f32 v6;
	v0 =	vmul.f32 $1.442695020e+00, v0;
	v15 =	vpop (erf)  }
0x91: {  	v21 =	vld [tilespmem:s18+$0x1B0];
	v12 =	vadd.f32 $1.000000000e+00, v12;
	v6 =	vshll.u32 v1, $0x10;
	v1 =	vand.u32 $0xFFFF0000, v1;
	v17 =	vpop (erf)  }
0x92: {  	v23 =	vld [tilespmem:s18+$0x1C0];
	v10 =	vadd.f32 $1.000000000e+00, v10;
	v6 =	vsub.f32 v14, v6;
	(erf) = vpow2.f32 v0;
	v20 =	vpop (erf)  }
0x93: {  	v5 =	vld [tilespmem:s10+$0x15E0];
	v1 =	vsub.f32 v16, v1;
	v0 =	vand.u32 $0xFFFF0000, v7;
	v7 =	vand.u32 $0xFFFF0000, v9;
	v22 =	vpop (erf)  }
0x94: {  	v14 =	vld [tilespmem:s18+$0x1D0];
	v15 =	vadd.f32 $1.000000000e+00, v15;
	(erf) = vrcp.f32 v8;
	v7 =	vmul.f32 v7, v22  }
0x95: {  	v16 =	vld [tilespmem:s18+$0x1E0];
	v9 =	vshll.u32 v9, $0x10;
	v1 =	vmul.f32 $1.442695020e+00, v1;
	(erf) = vrcp.f32 v12  }
0x96: {  	v2 =	vld [tilespmem:s10+$0x15D0];
	v6 =	vmul.f32 $1.442695020e+00, v6;
	v0 =	vsub.f32 v21, v0;
	(erf) = vrcp.f32 v10;
	[tilespmem:s10+$0x29F0] =	vst v7  }
0x97: {  	v8 =	vshll.u32 v13, $0x10;
	(erf) = vrcp.f32 v15;
	v7 =	vsub.f32 v18, v19;
	v10 =	vld [tilespmem:s18+$0x15C0]  }
0x98: {  	v13 =	vand.u32 $0xFFFF0000, v13;
	v0 =	vmul.f32 $1.442695020e+00, v0;
	(erf) = vpow2.f32 v6;
	v12 =	vld [tilespmem:s18+$0x15D0]  }
0x99: {  	s19 =	simm.s32 $0x100;
	v8 =	vsub.f32 v23, v8;
	v18 =	vld [tilespmem:s18+$0x15E0];
	(erf) = vpow2.f32 v1;
	v1 =	vpop (erf);
	v7 =	vmul.f32 $1.442695020e+00, v7  }
0x9a: {  	v3 =	vsub.f32 v16, v3;
	v6 =	vsub.f32 v14, v13;
	v16 =	vld [tilespmem:s19+$0x1580];
	v1 =	vmul.f32 v11, v1  }
0x9b: {  	v17 =	vadd.f32 $1.000000000e+00, v17;
	v8 =	vmul.f32 $1.442695020e+00, v8;
	v11 =	vld [tilespmem:s19+$0x1F0];
	(erf) = vpow2.f32 v7;
	v14 =	vpop (erf)  }
0x9c: {  	v6 =	vmul.f32 $1.442695020e+00, v6;
	v7 =	vld [tilespmem:s19+$0x15B0];
	[tilespmem:s10+$0x2980] =	vst v1;
	(erf) = vpow2.f32 v0;
	v1 =	vadd.f32 $1.000000000e+00, v14  }
0x9d: {  	v13 =	vshll.u32 v2, $0x10;
	v0 =	vmul.f32 $1.442695020e+00, v3;
	(erf) = vpow2.f32 v8  }
0x9e: {  	v2 =	vand.u32 $0xFFFF0000, v2;
	v19 =	vshll.u32 v5, $0x10;
	v3 =	vpop (erf);
	(erf) = vpow2.f32 v6  }
0x9f: {  	v3 =	vmul.f32 v4, v3;
	v8 =	vand.u32 $0xFFFF0000, v5;
	v4 =	vpop (erf);
	(erf) = vpow2.f32 v0  }
0xa0: {  	v5 =	vshll.u32 v10, $0x10;
	v0 =	vmul.f32 v13, v4;
	(erf) = vrcp.f32 v1;
	v1 =	vpop (erf)  }
0xa1: {  	v21 =	vld [tilespmem:s19+$0x1590];
	v6 =	vand.u32 $0xFFFF0000, v10;
	[tilespmem:s10+$0x2990] =	vst v3;
	v3 =	vadd.f32 $1.000000000e+00, v20;
	v10 =	vpop (erf);
	v1 =	vmul.f32 v2, v1  }
0xa2: {  	v14 =	vshll.u32 v18, $0x10;
	v22 =	vshll.u32 v16, $0x10;
	v4 =	vld [tilespmem:s18+$0x15F0];
	[tilespmem:s10+$0x29A0] =	vst v0;
	v2 =	vpop (erf);
	v10 =	vmul.f32 v19, v10  }
0xa3: {  	v16 =	vand.u32 $0xFFFF0000, v16;
	(erf) = vrcp.f32 v17;
	v13 =	vld [tilespmem:s19+$0x15A0];
	v17 =	vpop (erf);
	[tilespmem:s10+$0x29B0] =	vst v1;
	v1 =	vadd.f32 $1.000000000e+00, v2  }
0xa4: {  	v19 =	vshll.u32 v7, $0x10;
	v7 =	vand.u32 $0xFFFF0000, v7;
	v2 =	vadd.f32 $1.000000000e+00, v17;
	v17 =	vld [tilespmem:s19+$0x180];
	[tilespmem:s10+$0x29C0] =	vst v10  }
0xa5: {  	v0 =	vand.u32 $0xFFFF0000, v18;
	(erf) = vrcp.f32 v3;
	v7 =	vsub.f32 v11, v7;
	v3 =	vpop (erf);
	v20 =	vld [tilespmem:s19+$0x190]  }
0xa6: {  	v25 =	vshll.u32 v21, $0x10;
	v21 =	vand.u32 $0xFFFF0000, v21;
	v3 =	vadd.f32 $1.000000000e+00, v3;
	v18 =	vpop (erf);
	v62 =	vld [tilespmem:s19+$0x1D0]  }
0xa7: {  	(erf) = vrcp.f32 v1;
	v24 =	vld [tilespmem:s19+$0x1A0];
	v7 =	vmul.f32 $1.442695020e+00, v7;
	v18 =	vadd.f32 $1.000000000e+00, v18;
	v1 =	vpop (erf)  }
0xa8: {  	v26 =	vld [tilespmem:s19+$0x1B0];
	v29 =	vshll.u32 v13, $0x10;
	v13 =	vand.u32 $0xFFFF0000, v13;
	v23 =	vadd.f32 $1.000000000e+00, v1;
	v1 =	vpop (erf)  }
0xa9: {  	v28 =	vld [tilespmem:s19+$0x1C0];
	(erf) = vpow2.f32 v7;
	v10 =	vpop (erf);
	v11 =	vadd.f32 $1.000000000e+00, v1;
	v1 =	vand.u32 $0xFFFF0000, v4  }
0xaa: {  	v17 =	vsub.f32 v17, v22;
	v27 =	vpop (erf);
	(erf) = vrcp.f32 v2;
	v2 =	vld [tilespmem:s19+$0x1E0];
	v16 =	vsub.f32 v20, v16  }
0xab: {  	v13 =	vsub.f32 v62, v13;
	v7 =	vmul.f32 v1, v27;
	(erf) = vrcp.f32 v3  }
0xac: {  	v1 =	vshll.u32 v4, $0x10;
	v4 =	vmul.f32 $1.442695020e+00, v17;
	(erf) = vrcp.f32 v18  }
0xad: {  	v18 =	vsub.f32 v26, v21;
	[tilespmem:s18+$0x29F0] =	vst v7;
	v7 =	vsub.f32 v24, v25;
	(erf) = vrcp.f32 v23  }
0xae: {  	v16 =	vmul.f32 $1.442695020e+00, v16;
	v21 =	vsub.f32 v28, v29;
	v3 =	vld [tilespmem:s19+$0x15C0];
	(erf) = vpow2.f32 v4  }
0xaf: {  	v22 =	vld [tilespmem:s19+$0x15D0];
	v4 =	vmul.f32 $1.442695020e+00, v18;
	v20 =	vmul.f32 $1.442695020e+00, v7;
	v2 =	vsub.f32 v2, v19  }
0xb0: {  	v15 =	vshll.u32 v12, $0x10;
	v17 =	vpop (erf);
	v21 =	vmul.f32 $1.442695020e+00, v21;
	v7 =	vld [tilespmem:s19+$0x15E0];
	(erf) = vpow2.f32 v16  }
0xb1: {  	v12 =	vand.u32 $0xFFFF0000, v12;
	v23 =	vmul.f32 $1.442695020e+00, v13;
	v18 =	vpop (erf);
	(erf) = vpow2.f32 v20  }
0xb2: {  	v10 =	vadd.f32 $1.000000000e+00, v10;
	v19 =	vpop (erf);
	v63 =	vmul.f32 $1.442695020e+00, v2;
	(erf) = vpow2.f32 v4  }
0xb3: {  	v16 =	vshll.u32 v3, $0x10;
	v13 =	vand.u32 $0xFFFF0000, v3;
	(erf) = vpow2.f32 v21;
	v2 =	vpop (erf)  }
0xb4: {  	v3 =	vshll.u32 v22, $0x10;
	v20 =	vadd.f32 $1.000000000e+00, v2;
	(erf) = vpow2.f32 v23;
	v21 =	vpop (erf)  }
0xb5: {  	s12 =	simm.s32 $0x180;
	s14 =	simm.s32 $0x800;
	s7 =	sshll.u32 s21, $0x8;
	v4 =	vand.u32 $0xFFFF0000, v22;
	v2 =	vshll.u32 v7, $0x10;
	(erf) = vpow2.f32 v63;
	v22 =	vpop (erf)  }
.LBB2_3:
0xb6: {  	p6 =	sne.s32 s14, $0x4E00;
	v23 =	vld [tilespmem:s12+$0x15B0];
	v7 =	vand.u32 $0xFFFF0000, v7;
	(erf) = vrcp.f32 v20;
	v19 =	vmul.f32 v5, v19;
	v20 =	vpop (erf)  }
0xb7: {  	v21 =	vmul.f32 v6, v21;
	v5 =	vmov v16;
	v24 =	vld [tilespmem:s12+$0x1F0];
	v25 =	vpop (erf);
	(erf) = vrcp.f32 v11  }
0xb8: {  	v15 =	vmul.f32 v15, v22;
	v6 =	vmov v13;
	v11 =	vld [tilespmem:s12+$0x1580];
	v16 =	vpop (erf);
	[tilespmem:s18+$0x2980] =	vst v19;
	(erf) = vrcp.f32 v10  }
0xb9: {  	v12 =	vmul.f32 v12, v20;
	v14 =	vmul.f32 v14, v25;
	v10 =	vld [tilespmem:s12+$0x1590];
	v26 =	vadd.f32 $1.000000000e+00, v16;
	v16 =	vpop (erf);
	[tilespmem:s18+$0x2990] =	vst v21  }
0xba: {  	v8 =	vmul.f32 v8, v17;
	v9 =	vmul.f32 v9, v18;
	v16 =	vadd.f32 $1.000000000e+00, v16;
	v19 =	vld [tilespmem:s19+$0x15F0];
	v20 =	vpop (erf);
	[tilespmem:s18+$0x29A0] =	vst v15  }
0xbb: {  	v15 =	vld [tilespmem:s12+$0x15A0];
	v21 =	vshll.u32 v23, $0x10;
	v17 =	vand.u32 $0xFFFF0000, v23;
	v20 =	vadd.f32 $1.000000000e+00, v20;
	v18 =	vpop (erf);
	[tilespmem:s18+$0x29B0] =	vst v12  }
0xbc: {  	v12 =	vld [tilespmem:s12+$0x180];
	v29 =	vsub.f32 v24, v17;
	v22 =	vadd.f32 $1.000000000e+00, v18;
	(erf) = vrcp.f32 v26;
	v13 =	vpop (erf);
	[tilespmem:s18+$0x29C0] =	vst v14  }
0xbd: {  	v14 =	vshll.u32 v11, $0x10;
	v23 =	vand.u32 $0xFFFF0000, v11;
	v24 =	vld [tilespmem:s12+$0x190];
	v13 =	vadd.f32 $1.000000000e+00, v13;
	v11 =	vpop (erf);
	[tilespmem:s10+$0x29D0] =	vst v8  }
0xbe: {  	v25 =	vshll.u32 v10, $0x10;
	v26 =	vand.u32 $0xFFFF0000, v10;
	v27 =	vld [tilespmem:s12+$0x1A0];
	v8 =	vmul.f32 $1.442695020e+00, v29;
	v10 =	vpop (erf);
	[tilespmem:s10+$0x29E0] =	vst v9;
	s10 =	smov.u32 s18;
	s18 =	smov.u32 s19;
	s19 =	smov.u32 s12  }
0xbf: {  	v11 =	vadd.f32 $1.000000000e+00, v11;
	v28 =	vld [tilespmem:s19+$0x1B0];
	v9 =	vand.u32 $0xFFFF0000, v19;
	v10 =	vadd.f32 $1.000000000e+00, v10;
	v17 =	vpop (erf)  }
0xc0: {  	v29 =	vshll.u32 v15, $0x10;
	v30 =	vld [tilespmem:s19+$0x1C0];
	(erf) = vpow2.f32 v8;
	v32 =	vmul.f32 v9, v17;
	v17 =	vpop (erf)  }
0xc1: {  	v33 =	vsub.f32 v12, v14;
	v14 =	vand.u32 $0xFFFF0000, v15;
	v31 =	vld [tilespmem:s19+$0x1D0];
	(erf) = vrcp.f32 v16;
	v18 =	vpop (erf)  }
0xc2: {  	v34 =	vshll.u32 v19, $0x10;
	v35 =	vsub.f32 v24, v23;
	v16 =	vld [tilespmem:s19+$0x1E0];
	[tilespmem:s18+$0x29F0] =	vst v32;
	(erf) = vrcp.f32 v20;
	v8 =	vmovc v0;
	v0 =	vmovc v7  }
0xc3: {  	v9 =	vmovc v1;
	v1 =	vmovc v34;
	v20 =	vld [tilespmem:s19+$0x15C0];
	v32 =	vmul.f32 $1.442695020e+00, v33;
	v7 =	vsub.f32 v27, v25;
	(erf) = vrcp.f32 v22  }
0xc4: {  	v15 =	vmovc v3;
	v12 =	vmovc v4;
	v22 =	vmul.f32 $1.442695020e+00, v35;
	v23 =	vld [tilespmem:s19+$0x15D0];
	v24 =	vsub.f32 v28, v26;
	(erf) = vrcp.f32 v13  }
0xc5: {  	v3 =	vmul.f32 $1.442695020e+00, v7;
	v7 =	vld [tilespmem:s19+$0x15E0];
	v4 =	vsub.f32 v30, v29;
	(erf) = vpow2.f32 v32;
	v19 =	vpop (erf)  }
0xc6: {  	v13 =	vmul.f32 $1.442695020e+00, v24;
	v24 =	vsub.f32 v31, v14;
	(erf) = vpow2.f32 v22;
	v14 =	vmovc v2  }
.Ltmp2:
0xc7: {  	v25 =	vmul.f32 $1.442695020e+00, v4;
	v4 =	vsub.f32 v16, v21;
	(erf) = vpow2.f32 v3;
	(pc) =	sbr.rel @p6 .LBB2_3-.Ltmp2, $4  }
0xc8: {  	v16 =	vshll.u32 v20, $0x10;
	v24 =	vmul.f32 $1.442695020e+00, v24;
	(erf) = vpow2.f32 v13  }
0xc9: {  	v13 =	vand.u32 $0xFFFF0000, v20;
	v26 =	vmul.f32 $1.442695020e+00, v4;
	(erf) = vpow2.f32 v25;
	v2 =	vpop (erf)  }
0xca: {  	v3 =	vshll.u32 v23, $0x10;
	v20 =	vadd.f32 $1.000000000e+00, v2;
	(erf) = vpow2.f32 v24;
	v21 =	vpop (erf)  }
0xcb: {  	s12 =	sshra.s32 s14, $0x2;
	s14 =	sadd.s32 $0x200, s14;
	v4 =	vand.u32 $0xFFFF0000, v23;
	v2 =	vshll.u32 v7, $0x10;
	(erf) = vpow2.f32 v26;
	v22 =	vpop (erf)  }
0xcc: {  	v6 =	vmul.f32 v6, v21  }
0xcd: {  	v23 =	vld [tilespmem:s12+$0x15B0];
	v5 =	vmul.f32 v5, v19  }
0xce: {  	v19 =	vld [tilespmem:s12+$0x1F0]  }
0xcf: {  	v24 =	vld [tilespmem:s12+$0x1580];
	[tilespmem:s18+$0x2980] =	vst v5  }
0xd0: {  	v21 =	vld [tilespmem:s12+$0x1590];
	[tilespmem:s18+$0x2990] =	vst v6;
	v6 =	vpop (erf)  }
0xd1: {  	v15 =	vmul.f32 v15, v22;
	v6 =	vmul.f32 v12, v6;
	v12 =	vpop (erf)  }
0xd2: {  	v12 =	vmul.f32 v14, v12  }
0xd3: {  	v5 =	vld [tilespmem:s19+$0x15F0];
	[tilespmem:s18+$0x29A0] =	vst v15  }
0xd4: {  	v8 =	vmul.f32 v8, v17;
	v15 =	vld [tilespmem:s12+$0x15A0];
	v17 =	vand.u32 $0xFFFF0000, v23;
	[tilespmem:s18+$0x29B0] =	vst v6  }
0xd5: {  	(erf) = vrcp.f32 v20;
	v9 =	vmul.f32 v9, v18;
	v14 =	vpop (erf);
	v17 =	vsub.f32 v19, v17;
	v6 =	vld [tilespmem:s12+$0x180];
	[tilespmem:s18+$0x29C0] =	vst v12  }
0xd6: {  	(erf) = vrcp.f32 v11;
	v18 =	vand.u32 $0xFFFF0000, v24;
	v20 =	vld [tilespmem:s12+$0x190];
	[tilespmem:s10+$0x29D0] =	vst v8;
	v8 =	vadd.f32 $1.000000000e+00, v14;
	v12 =	vpop (erf)  }
0xd7: {  	v17 =	vmul.f32 $1.442695020e+00, v17;
	v22 =	vshll.u32 v21, $0x10;
	v14 =	vld [tilespmem:s12+$0x1A0];
	[tilespmem:s10+$0x29E0] =	vst v9;
	v11 =	vpop (erf);
	(erf) = vrcp.f32 v10  }
0xd8: {  	v9 =	vshll.u32 v24, $0x10;
	v10 =	vadd.f32 $1.000000000e+00, v12;
	v19 =	vld [tilespmem:s12+$0x1B0];
	v12 =	vpop (erf);
	(erf) = vrcp.f32 v8  }
0xd9: {  	v60 =	vld [tilespmem:s12+$0x1C0];
	v11 =	vadd.f32 $1.000000000e+00, v11;
	v12 =	vadd.f32 $1.000000000e+00, v12;
	(erf) = vpow2.f32 v17  }
0xda: {  	v8 =	vpop (erf);
	v17 =	vand.u32 $0xFFFF0000, v21;
	v6 =	vsub.f32 v6, v9;
	v9 =	vshll.u32 v15, $0x10  }
0xdb: {  	v8 =	vadd.f32 $1.000000000e+00, v8;
	(erf) = vrcp.f32 v10;
	v10 =	vsub.f32 v20, v18  }
0xdc: {  	v18 =	vld [tilespmem:s12+$0x1D0];
	(erf) = vrcp.f32 v11;
	v6 =	vmul.f32 $1.442695020e+00, v6;
	v14 =	vsub.f32 v14, v22  }
0xdd: {  	v20 =	vld [tilespmem:s12+$0x1E0];
	v11 =	vpop (erf);
	(erf) = vrcp.f32 v12;
	v10 =	vmul.f32 $1.442695020e+00, v10;
	v17 =	vsub.f32 v19, v17  }
0xde: {  	v9 =	vsub.f32 v60, v9;
	v12 =	vpop (erf);
	(erf) = vrcp.f32 v8;
	v14 =	vmul.f32 $1.442695020e+00, v14  }
0xdf: {  	v8 =	vpop (erf);
	(erf) = vpow2.f32 v6;
	v17 =	vmul.f32 $1.442695020e+00, v17  }
0xe0: {  	v9 =	vmul.f32 $1.442695020e+00, v9;
	v6 =	vpop (erf);
	(erf) = vpow2.f32 v10;
	v10 =	vand.u32 $0xFFFF0000, v15  }
0xe1: {  	v15 =	vpop (erf);
	(erf) = vpow2.f32 v14;
	v14 =	vshll.u32 v23, $0x10;
	v10 =	vsub.f32 v18, v10  }
0xe2: {  	v14 =	vsub.f32 v20, v14  }
0xe3: {  	v19 =	vpop (erf);
	(erf) = vpow2.f32 v17;
	v10 =	vmul.f32 $1.442695020e+00, v10  }
0xe4: {  	v18 =	vand.u32 $0xFFFF0000, v5;
	(erf) = vpow2.f32 v9;
	v9 =	vpop (erf);
	v14 =	vmul.f32 $1.442695020e+00, v14  }
0xe5: {  	v8 =	vmul.f32 v18, v8;
	v17 =	vpop (erf)  }
0xe6: {  	v11 =	vadd.f32 $1.000000000e+00, v11;
	v20 =	vpop (erf)  }
0xe7: {  	v12 =	vadd.f32 $1.000000000e+00, v12;
	v9 =	vadd.f32 $1.000000000e+00, v9;
	(erf) = vpow2.f32 v10;
	v10 =	vpop (erf)  }
0xe8: {  	(erf) = vpow2.f32 v14;
	v14 =	vpop (erf)  }
0xe9: {  	[tilespmem:s19+$0x29F0] =	vst v8;
	(erf) = vrcp.f32 v9;
	v8 =	vpop (erf)  }
0xea: {  	v16 =	vmul.f32 v16, v19;
	v18 =	vld [tilespmem:s12+$0x15D0];
	(erf) = vrcp.f32 v11;
	v8 =	vadd.f32 $1.000000000e+00, v8;
	v11 =	vpop (erf)  }
0xeb: {  	v19 =	vld [tilespmem:s12+$0x15E0];
	v13 =	vmul.f32 v13, v17;
	(erf) = vrcp.f32 v12;
	v11 =	vadd.f32 $1.000000000e+00, v11;
	v12 =	vpop (erf)  }
0xec: {  	v9 =	vld [tilespmem:s12+$0x15C0];
	[tilespmem:s19+$0x2980] =	vst v16;
	v12 =	vadd.f32 $1.000000000e+00, v12;
	v17 =	vpop (erf);
	(erf) = vrcp.f32 v8  }
0xed: {  	[tilespmem:s19+$0x2990] =	vst v13;
	v8 =	vadd.f32 $1.000000000e+00, v17;
	(erf) = vrcp.f32 v11  }
0xee: {  	v16 =	vpop (erf);
	(erf) = vrcp.f32 v12;
	v12 =	vld [tilespmem:s12+$0x15F0]  }
0xef: {  	v3 =	vmul.f32 v3, v20;
	v11 =	vadd.f32 $1.000000000e+00, v16  }
0xf0: {  	v4 =	vmul.f32 v4, v10;
	(erf) = vrcp.f32 v8  }
0xf1: {  	v2 =	vmul.f32 v2, v14;
	[tilespmem:s19+$0x29A0] =	vst v3;
	v8 =	vpop (erf);
	(erf) = vrcp.f32 v11  }
0xf2: {  	v0 =	vmul.f32 v0, v6;
	v1 =	vmul.f32 v1, v15;
	[tilespmem:s19+$0x29B0] =	vst v4;
	v10 =	vpop (erf)  }
0xf3: {  	[tilespmem:s19+$0x29C0] =	vst v2;
	v8 =	vadd.f32 $1.000000000e+00, v8;
	v3 =	vadd.f32 $1.000000000e+00, v10;
	v10 =	vpop (erf);
	v2 =	vand.u32 $0xFFFF0000, v12  }
0xf4: {  	[tilespmem:s18+$0x29D0] =	vst v0;
	v4 =	vpop (erf);
	v0 =	vmul.f32 v2, v10  }
0xf5: {  	(erf) = vrcp.f32 v8;
	v6 =	vpop (erf)  }
0xf6: {  	(erf) = vrcp.f32 v3;
	v3 =	vshll.u32 v9, $0x10;
	v2 =	vpop (erf)  }
0xf7: {  	[tilespmem:s18+$0x29E0] =	vst v1;
	v1 =	vpop (erf);
	v2 =	vmul.f32 v3, v2;
	v3 =	vshll.u32 v18, $0x10  }
0xf8: {  	[tilespmem:s12+$0x29F0] =	vst v0;
	v0 =	vpop (erf)  }
0xf9: {  	v8 =	vand.u32 $0xFFFF0000, v9;
	v9 =	vpop (erf)  }
0xfa: {  	v1 =	vmul.f32 v8, v1;
	[tilespmem:s12+$0x2980] =	vst v2;
	v0 =	vmul.f32 v3, v0;
	v2 =	vshll.u32 v19, $0x10;
	v3 =	vpop (erf)  }
0xfb: {  	v7 =	vand.u32 $0xFFFF0000, v7;
	v8 =	vand.u32 $0xFFFF0000, v18;
	v2 =	vmul.f32 v2, v3  }
0xfc: {  	[tilespmem:s12+$0x2990] =	vst v1;
	v1 =	vmul.f32 v8, v9;
	v3 =	vmul.f32 v7, v4  }
0xfd: {  	[tilespmem:s12+$0x29A0] =	vst v0  }
0xfe: {  	v0 =	vshll.u32 v5, $0x10;
	[tilespmem:s12+$0x29B0] =	vst v1  }
0xff: {  	v1 =	vand.u32 $0xFFFF0000, v19;
	v0 =	vmul.f32 v0, v6;
	[tilespmem:s12+$0x29C0] =	vst v2;
	v2 =	vpop (erf)  }
0x100: {  	v4 =	vshll.u32 v12, $0x10;
	[tilespmem:s19+$0x29D0] =	vst v3;
	v3 =	vpop (erf);
	v1 =	vmul.f32 v1, v2  }
0x101: {  	p6 =	seq.s32 s21, $0x7C;
	[tilespmem:s19+$0x29E0] =	vst v0;
	v0 =	vmul.f32 v4, v3  }
0x102: {  	s10 =	sadd.s32 @!p6 $0x100, s7;
	[tilespmem:s12+$0x29D0] =	vst v1  }
0x103: {  	[tilespmem:s12+$0x29E0] =	vst v0;
	s12 =	sand.u32 @!p6 $0xFC00, s10  }
0x104: {  	[spmem:s2] =	stream.indirect.scatter.add.f32 [tilespmem:s11], [sflag:$0x4], $0x80, s22, s29, $0xb8;
	[tilespmem:$0x1B380] =	vst v63  }
0x105: {  	s10 =	sand.u32 @!p6 $0x300, s10;
	s12 =	sadd.s32 @!p6 s9, s12  }
0x106: {  	s10 =	sor.u32 @!p6 s10, s12  }
0x107: {  	s10 =	sshrl.u32 @!p6 s10, $0x3  }
0x108: {  	s14 =	simm.s32 @!p6 $0x0;
	s12 =	sadd.s32 @!p6 s5, s10  }
0x109: {  	[tilespmem:s14], [sflag:$0x1] =	stream.linear.gather @!p6 [hbm4b:s12+s14], $0x80, $0x38;
	[tilespmem:$0x1B380] =	vst v63  }
0x10a: {  	s18 =	simm.s32 @!p6 $0x100  }
0x10b: {  	[tilespmem:s18], [sflag:$0x1] =	stream.linear.gather @!p6 [hbm4b:s12+s14], $0x80, $0x38;
	[tilespmem:$0x1B380] =	vst v63  }
0x10c: {  	s10 =	sadd.s32 @!p6 s4, s10;
	s12 =	simm.s32 @!p6 $0x80  }
0x10d: {  	[tilespmem:s12], [sflag:$0x1] =	stream.linear.gather @!p6 [hbm4b:s10+s14], $0x80, $0x38;
	[tilespmem:$0x1B380] =	vst v63  }
0x10e: {  	s10 =	simm.s32 @!p6 $0x1  }
0x10f: {  	_ =	swait.ge @!p6 [sflag:s10], $0x80  }
0x110: {  	[sflag:s10] =	ssyncset.done @!p6 $0x0  }
0x111: {  	[sflag:s10] =	ssyncadd.s32 @!p6 $0xFFFFFF80  }
0x112: {  	_ =	swait.ge @!p6 [sflag:s10], $0x80  }
0x113: {  	[sflag:s10] =	ssyncset.done @!p6 $0x0  }
0x114: {  	[sflag:s10] =	ssyncadd.s32 @!p6 $0xFFFFFF80  }
0x115: {  	_ =	swait.ge @!p6 [sflag:s10], $0x80  }
0x116: {  	[sflag:s10] =	ssyncset.done @!p6 $0x0  }
0x117: {  	s18 =	simm.s32 @!p6 $0x180;
	[sflag:s10] =	ssyncadd.s32 @!p6 $0xFFFFFF80;
	s10 =	simm.s32 @!p6 $0x28  }
0x118: {  	[tilespmem:s18], [sflag:$0x2] =	stream.indirect.gather @!p6 [hbm4b:s1+s10], $0x80, s14, s10, $0xb8;
	[tilespmem:$0x1B380] =	vst v63  }
0x119: {  	s14 =	simm.s32 @!p6 $0x1580  }
0x11a: {  	[tilespmem:s14], [sflag:$0x3] =	stream.indirect.gather @!p6 [hbm4b:s6+s10], $0x80, s12, s10, $0xb8;
	[tilespmem:$0x1B380] =	vst v63  }
0x11b: {  	_ =	swait.ge [sflag:s13], $0x1400  }
0x11c: {  	[sflag:s13] =	ssyncset.done $0x0  }
0x11d: {  	[sflag:s13] =	ssyncadd.s32 $0xFFFFEC00  }
0x11e: {  	_ =	swait.ge [sflag:s15], $0x1400  }
0x11f: {  	[sflag:s15] =	ssyncset.done $0x0  }
0x120: {  	s10 =	simm.s32 @!p5 $0x8;
	[sflag:s15] =	ssyncadd.s32 $0xFFFFEC00  }
0x121: {  	_ =	swait.ge @!p5 [sflag:s10], $0x1400  }
0x122: {  	[sflag:s10] =	ssyncset.done @!p5 $0x0  }
0x123: {  	[sflag:s10] =	ssyncadd.s32 @!p5 $0xFFFFEC00;
	s10 =	simm.s32 $0x0  }
0x124: {  	v0 =	vld [tilespmem:s10+$0x5330]  }
0x125: {  	v1 =	vld [tilespmem:s10+$0x3F70]  }
0x126: {  	v2 =	vld [tilespmem:s10+$0x5300]  }
0x127: {  	v3 =	vld [tilespmem:s10+$0x5310]  }
0x128: {  	v4 =	vld [tilespmem:s10+$0x5320]  }
0x129: {  	v6 =	vld [tilespmem:s10+$0x3F00];
	v5 =	vand.u32 $0xFFFF0000, v0  }
0x12a: {  	v7 =	vld [tilespmem:s10+$0x3F20];
	v1 =	vsub.f32 v1, v5  }
0x12b: {  	v5 =	vld [tilespmem:s10+$0x3F10]  }
0x12c: {  	v8 =	vld [tilespmem:s10+$0x3F30];
	v1 =	vmul.f32 $1.442695020e+00, v1  }
0x12d: {  	v10 =	vld [tilespmem:s10+$0x3F40]  }
0x12e: {  	v9 =	vshll.u32 v2, $0x10;
	(erf) = vpow2.f32 v1  }
0x12f: {  	v1 =	vand.u32 $0xFFFF0000, v2;
	v2 =	vsub.f32 v6, v9;
	v6 =	vld [tilespmem:s10+$0x3F50];
	v9 =	vshll.u32 v3, $0x10  }
0x130: {  	v3 =	vand.u32 $0xFFFF0000, v3;
	v1 =	vsub.f32 v5, v1;
	v7 =	vsub.f32 v7, v9  }
0x131: {  	v11 =	vshll.u32 v4, $0x10;
	v5 =	vld [tilespmem:s10+$0x3F60];
	v3 =	vsub.f32 v8, v3;
	v2 =	vmul.f32 $1.442695020e+00, v2  }
0x132: {  	v8 =	vsub.f32 v10, v11;
	v1 =	vmul.f32 $1.442695020e+00, v1;
	v7 =	vmul.f32 $1.442695020e+00, v7  }
0x133: {  	v4 =	vand.u32 $0xFFFF0000, v4;
	(erf) = vpow2.f32 v2;
	v2 =	vmul.f32 $1.442695020e+00, v3  }
0x134: {  	v3 =	vsub.f32 v6, v4;
	(erf) = vpow2.f32 v1;
	v1 =	vmul.f32 $1.442695020e+00, v8  }
0x135: {  	v0 =	vshll.u32 v0, $0x10;
	(erf) = vpow2.f32 v7  }
0x136: {  	v0 =	vsub.f32 v5, v0;
	v3 =	vmul.f32 $1.442695020e+00, v3;
	(erf) = vpow2.f32 v2  }
0x137: {  	s18 =	simm.s32 $0x80;
	(erf) = vpow2.f32 v1  }
0x138: {  	v0 =	vmul.f32 $1.442695020e+00, v0;
	v1 =	vpop (erf);
	(erf) = vpow2.f32 v3;
	v3 =	vld [tilespmem:s18+$0x5330]  }
0x139: {  	v4 =	vld [tilespmem:s10+$0x5340];
	v1 =	vadd.f32 $1.000000000e+00, v1  }
0x13a: {  	(erf) = vpow2.f32 v0;
	v0 =	vld [tilespmem:s18+$0x3F70]  }
0x13b: {  	v7 =	vld [tilespmem:s18+$0x5310];
	(erf) = vrcp.f32 v1  }
0x13c: {  	v14 =	vld [tilespmem:s18+$0x3F00]  }
0x13d: {  	v1 =	vld [tilespmem:s18+$0x5300];
	v6 =	vpop (erf);
	v10 =	vand.u32 $0xFFFF0000, v3  }
0x13e: {  	v16 =	vld [tilespmem:s18+$0x3F10];
	v8 =	vpop (erf)  }
0x13f: {  	v9 =	vld [tilespmem:s10+$0x5370];
	v11 =	vshll.u32 v4, $0x10;
	v6 =	vadd.f32 $1.000000000e+00, v6;
	v12 =	vpop (erf);
	v0 =	vsub.f32 v0, v10  }
0x140: {  	v13 =	vld [tilespmem:s18+$0x5320];
	v4 =	vand.u32 $0xFFFF0000, v4;
	v19 =	vshll.u32 v7, $0x10;
	v3 =	vshll.u32 v3, $0x10;
	v10 =	vpop (erf)  }
0x141: {  	v18 =	vld [tilespmem:s18+$0x3F20];
	v8 =	vadd.f32 $1.000000000e+00, v8;
	(erf) = vrcp.f32 v6;
	v0 =	vmul.f32 $1.442695020e+00, v0;
	v15 =	vpop (erf)  }
0x142: {  	v21 =	vld [tilespmem:s18+$0x3F30];
	v12 =	vadd.f32 $1.000000000e+00, v12;
	v6 =	vshll.u32 v1, $0x10;
	v1 =	vand.u32 $0xFFFF0000, v1;
	v17 =	vpop (erf)  }
0x143: {  	v23 =	vld [tilespmem:s18+$0x3F40];
	v10 =	vadd.f32 $1.000000000e+00, v10;
	v6 =	vsub.f32 v14, v6;
	(erf) = vpow2.f32 v0;
	v20 =	vpop (erf)  }
0x144: {  	v5 =	vld [tilespmem:s10+$0x5360];
	v1 =	vsub.f32 v16, v1;
	v0 =	vand.u32 $0xFFFF0000, v7;
	v7 =	vand.u32 $0xFFFF0000, v9;
	v22 =	vpop (erf)  }
0x145: {  	v14 =	vld [tilespmem:s18+$0x3F50];
	v15 =	vadd.f32 $1.000000000e+00, v15;
	(erf) = vrcp.f32 v8;
	v7 =	vmul.f32 v7, v22  }
0x146: {  	v16 =	vld [tilespmem:s18+$0x3F60];
	v9 =	vshll.u32 v9, $0x10;
	v1 =	vmul.f32 $1.442695020e+00, v1;
	(erf) = vrcp.f32 v12  }
0x147: {  	v2 =	vld [tilespmem:s10+$0x5350];
	v6 =	vmul.f32 $1.442695020e+00, v6;
	v0 =	vsub.f32 v21, v0;
	(erf) = vrcp.f32 v10;
	[tilespmem:s10+$0x6770] =	vst v7  }
0x148: {  	v8 =	vshll.u32 v13, $0x10;
	(erf) = vrcp.f32 v15;
	v7 =	vsub.f32 v18, v19;
	v10 =	vld [tilespmem:s18+$0x5340]  }
0x149: {  	v13 =	vand.u32 $0xFFFF0000, v13;
	v0 =	vmul.f32 $1.442695020e+00, v0;
	(erf) = vpow2.f32 v6;
	v12 =	vld [tilespmem:s18+$0x5350]  }
0x14a: {  	s19 =	simm.s32 $0x100;
	v8 =	vsub.f32 v23, v8;
	v18 =	vld [tilespmem:s18+$0x5360];
	(erf) = vpow2.f32 v1;
	v1 =	vpop (erf);
	v7 =	vmul.f32 $1.442695020e+00, v7  }
0x14b: {  	v3 =	vsub.f32 v16, v3;
	v6 =	vsub.f32 v14, v13;
	v16 =	vld [tilespmem:s19+$0x5300];
	v1 =	vmul.f32 v11, v1  }
0x14c: {  	v17 =	vadd.f32 $1.000000000e+00, v17;
	v8 =	vmul.f32 $1.442695020e+00, v8;
	v11 =	vld [tilespmem:s19+$0x3F70];
	(erf) = vpow2.f32 v7;
	v14 =	vpop (erf)  }
0x14d: {  	v6 =	vmul.f32 $1.442695020e+00, v6;
	v7 =	vld [tilespmem:s19+$0x5330];
	[tilespmem:s10+$0x6700] =	vst v1;
	(erf) = vpow2.f32 v0;
	v1 =	vadd.f32 $1.000000000e+00, v14  }
0x14e: {  	v13 =	vshll.u32 v2, $0x10;
	v0 =	vmul.f32 $1.442695020e+00, v3;
	(erf) = vpow2.f32 v8  }
0x14f: {  	v2 =	vand.u32 $0xFFFF0000, v2;
	v19 =	vshll.u32 v5, $0x10;
	v3 =	vpop (erf);
	(erf) = vpow2.f32 v6  }
0x150: {  	v3 =	vmul.f32 v4, v3;
	v8 =	vand.u32 $0xFFFF0000, v5;
	v4 =	vpop (erf);
	(erf) = vpow2.f32 v0  }
0x151: {  	v5 =	vshll.u32 v10, $0x10;
	v0 =	vmul.f32 v13, v4;
	(erf) = vrcp.f32 v1;
	v1 =	vpop (erf)  }
0x152: {  	v21 =	vld [tilespmem:s19+$0x5310];
	v6 =	vand.u32 $0xFFFF0000, v10;
	[tilespmem:s10+$0x6710] =	vst v3;
	v3 =	vadd.f32 $1.000000000e+00, v20;
	v10 =	vpop (erf);
	v1 =	vmul.f32 v2, v1  }
0x153: {  	v14 =	vshll.u32 v18, $0x10;
	v22 =	vshll.u32 v16, $0x10;
	v4 =	vld [tilespmem:s18+$0x5370];
	[tilespmem:s10+$0x6720] =	vst v0;
	v2 =	vpop (erf);
	v10 =	vmul.f32 v19, v10  }
0x154: {  	v16 =	vand.u32 $0xFFFF0000, v16;
	(erf) = vrcp.f32 v17;
	v13 =	vld [tilespmem:s19+$0x5320];
	v17 =	vpop (erf);
	[tilespmem:s10+$0x6730] =	vst v1;
	v1 =	vadd.f32 $1.000000000e+00, v2  }
0x155: {  	v19 =	vshll.u32 v7, $0x10;
	v7 =	vand.u32 $0xFFFF0000, v7;
	v2 =	vadd.f32 $1.000000000e+00, v17;
	v17 =	vld [tilespmem:s19+$0x3F00];
	[tilespmem:s10+$0x6740] =	vst v10  }
0x156: {  	v0 =	vand.u32 $0xFFFF0000, v18;
	(erf) = vrcp.f32 v3;
	v7 =	vsub.f32 v11, v7;
	v3 =	vpop (erf);
	v20 =	vld [tilespmem:s19+$0x3F10]  }
0x157: {  	v25 =	vshll.u32 v21, $0x10;
	v21 =	vand.u32 $0xFFFF0000, v21;
	v3 =	vadd.f32 $1.000000000e+00, v3;
	v18 =	vpop (erf);
	v62 =	vld [tilespmem:s19+$0x3F50]  }
0x158: {  	(erf) = vrcp.f32 v1;
	v61 =	vld [tilespmem:s19+$0x3F20];
	v7 =	vmul.f32 $1.442695020e+00, v7;
	v18 =	vadd.f32 $1.000000000e+00, v18;
	v1 =	vpop (erf)  }
0x159: {  	v26 =	vld [tilespmem:s19+$0x3F30];
	v29 =	vshll.u32 v13, $0x10;
	v13 =	vand.u32 $0xFFFF0000, v13;
	v23 =	vadd.f32 $1.000000000e+00, v1;
	v1 =	vpop (erf)  }
0x15a: {  	v28 =	vld [tilespmem:s19+$0x3F40];
	(erf) = vpow2.f32 v7;
	v10 =	vpop (erf);
	v11 =	vadd.f32 $1.000000000e+00, v1;
	v1 =	vand.u32 $0xFFFF0000, v4  }
0x15b: {  	v17 =	vsub.f32 v17, v22;
	v27 =	vpop (erf);
	(erf) = vrcp.f32 v2;
	v2 =	vld [tilespmem:s19+$0x3F60];
	v16 =	vsub.f32 v20, v16  }
0x15c: {  	v13 =	vsub.f32 v62, v13;
	v7 =	vmul.f32 v1, v27;
	(erf) = vrcp.f32 v3  }
0x15d: {  	v1 =	vshll.u32 v4, $0x10;
	v4 =	vmul.f32 $1.442695020e+00, v17;
	(erf) = vrcp.f32 v18  }
0x15e: {  	v18 =	vsub.f32 v26, v21;
	[tilespmem:s18+$0x6770] =	vst v7;
	v7 =	vsub.f32 v61, v25;
	(erf) = vrcp.f32 v23  }
0x15f: {  	v16 =	vmul.f32 $1.442695020e+00, v16;
	v21 =	vsub.f32 v28, v29;
	v3 =	vld [tilespmem:s19+$0x5340];
	(erf) = vpow2.f32 v4  }
0x160: {  	v22 =	vld [tilespmem:s19+$0x5350];
	v4 =	vmul.f32 $1.442695020e+00, v18;
	v20 =	vmul.f32 $1.442695020e+00, v7;
	v2 =	vsub.f32 v2, v19  }
0x161: {  	v15 =	vshll.u32 v12, $0x10;
	v17 =	vpop (erf);
	v21 =	vmul.f32 $1.442695020e+00, v21;
	v7 =	vld [tilespmem:s19+$0x5360];
	(erf) = vpow2.f32 v16  }
0x162: {  	v12 =	vand.u32 $0xFFFF0000, v12;
	v23 =	vmul.f32 $1.442695020e+00, v13;
	v18 =	vpop (erf);
	(erf) = vpow2.f32 v20  }
0x163: {  	v10 =	vadd.f32 $1.000000000e+00, v10;
	v19 =	vpop (erf);
	v63 =	vmul.f32 $1.442695020e+00, v2;
	(erf) = vpow2.f32 v4  }
0x164: {  	v16 =	vshll.u32 v3, $0x10;
	v13 =	vand.u32 $0xFFFF0000, v3;
	(erf) = vpow2.f32 v21;
	v2 =	vpop (erf)  }
0x165: {  	v3 =	vshll.u32 v22, $0x10;
	v20 =	vadd.f32 $1.000000000e+00, v2;
	(erf) = vpow2.f32 v23;
	v21 =	vpop (erf)  }
0x166: {  	s12 =	simm.s32 $0x180;
	s14 =	simm.s32 $0x800;
	v4 =	vand.u32 $0xFFFF0000, v22;
	v2 =	vshll.u32 v7, $0x10;
	(erf) = vpow2.f32 v63;
	v22 =	vpop (erf)  }
.LBB2_5:
0x167: {  	p5 =	sne.s32 s14, $0x4E00;
	v23 =	vld [tilespmem:s12+$0x5330];
	v7 =	vand.u32 $0xFFFF0000, v7;
	(erf) = vrcp.f32 v20;
	v19 =	vmul.f32 v5, v19;
	v20 =	vpop (erf)  }
0x168: {  	v21 =	vmul.f32 v6, v21;
	v5 =	vmov v16;
	v24 =	vld [tilespmem:s12+$0x3F70];
	v25 =	vpop (erf);
	(erf) = vrcp.f32 v11  }
0x169: {  	v15 =	vmul.f32 v15, v22;
	v6 =	vmov v13;
	v11 =	vld [tilespmem:s12+$0x5300];
	v16 =	vpop (erf);
	[tilespmem:s18+$0x6700] =	vst v19;
	(erf) = vrcp.f32 v10  }
0x16a: {  	v12 =	vmul.f32 v12, v20;
	v14 =	vmul.f32 v14, v25;
	v10 =	vld [tilespmem:s12+$0x5310];
	v26 =	vadd.f32 $1.000000000e+00, v16;
	v16 =	vpop (erf);
	[tilespmem:s18+$0x6710] =	vst v21  }
0x16b: {  	v8 =	vmul.f32 v8, v17;
	v9 =	vmul.f32 v9, v18;
	v16 =	vadd.f32 $1.000000000e+00, v16;
	v19 =	vld [tilespmem:s19+$0x5370];
	v20 =	vpop (erf);
	[tilespmem:s18+$0x6720] =	vst v15  }
0x16c: {  	v15 =	vld [tilespmem:s12+$0x5320];
	v21 =	vshll.u32 v23, $0x10;
	v17 =	vand.u32 $0xFFFF0000, v23;
	v20 =	vadd.f32 $1.000000000e+00, v20;
	v18 =	vpop (erf);
	[tilespmem:s18+$0x6730] =	vst v12  }
0x16d: {  	v12 =	vld [tilespmem:s12+$0x3F00];
	v29 =	vsub.f32 v24, v17;
	v22 =	vadd.f32 $1.000000000e+00, v18;
	(erf) = vrcp.f32 v26;
	v13 =	vpop (erf);
	[tilespmem:s18+$0x6740] =	vst v14  }
0x16e: {  	v14 =	vshll.u32 v11, $0x10;
	v23 =	vand.u32 $0xFFFF0000, v11;
	v24 =	vld [tilespmem:s12+$0x3F10];
	v13 =	vadd.f32 $1.000000000e+00, v13;
	v11 =	vpop (erf);
	[tilespmem:s10+$0x6750] =	vst v8  }
0x16f: {  	v25 =	vshll.u32 v10, $0x10;
	v26 =	vand.u32 $0xFFFF0000, v10;
	v27 =	vld [tilespmem:s12+$0x3F20];
	v8 =	vmul.f32 $1.442695020e+00, v29;
	v10 =	vpop (erf);
	[tilespmem:s10+$0x6760] =	vst v9;
	s10 =	smov.u32 s18;
	s18 =	smov.u32 s19;
	s19 =	smov.u32 s12  }
0x170: {  	v11 =	vadd.f32 $1.000000000e+00, v11;
	v28 =	vld [tilespmem:s19+$0x3F30];
	v9 =	vand.u32 $0xFFFF0000, v19;
	v10 =	vadd.f32 $1.000000000e+00, v10;
	v17 =	vpop (erf)  }
0x171: {  	v29 =	vshll.u32 v15, $0x10;
	v30 =	vld [tilespmem:s19+$0x3F40];
	(erf) = vpow2.f32 v8;
	v32 =	vmul.f32 v9, v17;
	v17 =	vpop (erf)  }
0x172: {  	v33 =	vsub.f32 v12, v14;
	v14 =	vand.u32 $0xFFFF0000, v15;
	v31 =	vld [tilespmem:s19+$0x3F50];
	(erf) = vrcp.f32 v16;
	v18 =	vpop (erf)  }
0x173: {  	v34 =	vshll.u32 v19, $0x10;
	v35 =	vsub.f32 v24, v23;
	v16 =	vld [tilespmem:s19+$0x3F60];
	[tilespmem:s18+$0x6770] =	vst v32;
	(erf) = vrcp.f32 v20;
	v8 =	vmovc v0;
	v0 =	vmovc v7  }
0x174: {  	v9 =	vmovc v1;
	v1 =	vmovc v34;
	v20 =	vld [tilespmem:s19+$0x5340];
	v32 =	vmul.f32 $1.442695020e+00, v33;
	v7 =	vsub.f32 v27, v25;
	(erf) = vrcp.f32 v22  }
0x175: {  	v15 =	vmovc v3;
	v12 =	vmovc v4;
	v22 =	vmul.f32 $1.442695020e+00, v35;
	v23 =	vld [tilespmem:s19+$0x5350];
	v24 =	vsub.f32 v28, v26;
	(erf) = vrcp.f32 v13  }
0x176: {  	v3 =	vmul.f32 $1.442695020e+00, v7;
	v7 =	vld [tilespmem:s19+$0x5360];
	v4 =	vsub.f32 v30, v29;
	(erf) = vpow2.f32 v32;
	v19 =	vpop (erf)  }
0x177: {  	v13 =	vmul.f32 $1.442695020e+00, v24;
	v24 =	vsub.f32 v31, v14;
	(erf) = vpow2.f32 v22;
	v14 =	vmovc v2  }
.Ltmp3:
0x178: {  	v25 =	vmul.f32 $1.442695020e+00, v4;
	v4 =	vsub.f32 v16, v21;
	(erf) = vpow2.f32 v3;
	(pc) =	sbr.rel @p5 .LBB2_5-.Ltmp3, $4  }
0x179: {  	v16 =	vshll.u32 v20, $0x10;
	v24 =	vmul.f32 $1.442695020e+00, v24;
	(erf) = vpow2.f32 v13  }
0x17a: {  	v13 =	vand.u32 $0xFFFF0000, v20;
	v26 =	vmul.f32 $1.442695020e+00, v4;
	(erf) = vpow2.f32 v25;
	v2 =	vpop (erf)  }
0x17b: {  	v3 =	vshll.u32 v23, $0x10;
	v20 =	vadd.f32 $1.000000000e+00, v2;
	(erf) = vpow2.f32 v24;
	v21 =	vpop (erf)  }
0x17c: {  	s12 =	sshra.s32 s14, $0x2;
	s14 =	sadd.s32 $0x200, s14;
	v4 =	vand.u32 $0xFFFF0000, v23;
	v2 =	vshll.u32 v7, $0x10;
	(erf) = vpow2.f32 v26;
	v22 =	vpop (erf)  }
0x17d: {  	v23 =	vld [tilespmem:s12+$0x5330];
	v5 =	vmul.f32 v5, v19  }
0x17e: {  	v29 =	vld [tilespmem:s12+$0x3F70];
	v6 =	vmul.f32 v6, v21  }
0x17f: {  	v24 =	vld [tilespmem:s12+$0x5300];
	v15 =	vmul.f32 v15, v22;
	v31 =	vpop (erf);
	[tilespmem:s18+$0x6700] =	vst v5  }
0x180: {  	v32 =	vpop (erf);
	v30 =	vld [tilespmem:s12+$0x5310];
	[tilespmem:s18+$0x6710] =	vst v6;
	v6 =	vmul.f32 v12, v31  }
0x181: {  	v8 =	vmul.f32 v8, v17;
	v12 =	vmul.f32 v14, v32;
	v5 =	vld [tilespmem:s19+$0x5370];
	[tilespmem:s18+$0x6720] =	vst v15  }
0x182: {  	(erf) = vrcp.f32 v20;
	v9 =	vmul.f32 v9, v18;
	v33 =	vpop (erf);
	v15 =	vld [tilespmem:s12+$0x5320];
	[tilespmem:s18+$0x6730] =	vst v6;
	v35 =	vand.u32 $0xFFFF0000, v23  }
0x183: {  	v34 =	vpop (erf);
	(erf) = vrcp.f32 v11;
	v38 =	vadd.f32 $1.000000000e+00, v33;
	v6 =	vld [tilespmem:s12+$0x3F00];
	[tilespmem:s18+$0x6740] =	vst v12;
	v17 =	vsub.f32 v29, v35  }
0x184: {  	v37 =	vpop (erf);
	(erf) = vrcp.f32 v10;
	v39 =	vadd.f32 $1.000000000e+00, v34;
	v36 =	vld [tilespmem:s12+$0x3F10];
	[tilespmem:s10+$0x6750] =	vst v8  }
0x185: {  	v40 =	vpop (erf);
	v11 =	vadd.f32 $1.000000000e+00, v37;
	(erf) = vrcp.f32 v38;
	v41 =	vld [tilespmem:s12+$0x3F20];
	v17 =	vmul.f32 $1.442695020e+00, v17;
	[tilespmem:s10+$0x6760] =	vst v9  }
0x186: {  	v43 =	vshll.u32 v24, $0x10;
	v44 =	vand.u32 $0xFFFF0000, v24;
	v12 =	vadd.f32 $1.000000000e+00, v40;
	v42 =	vpop (erf);
	v45 =	vld [tilespmem:s12+$0x3F30]  }
0x187: {  	v8 =	vadd.f32 $1.000000000e+00, v42;
	v46 =	vshll.u32 v30, $0x10;
	v47 =	vld [tilespmem:s12+$0x3F40];
	(erf) = vpow2.f32 v17  }
0x188: {  	v48 =	vand.u32 $0xFFFF0000, v30;
	v6 =	vsub.f32 v6, v43;
	(erf) = vrcp.f32 v39  }
0x189: {  	v49 =	vshll.u32 v15, $0x10;
	v50 =	vsub.f32 v36, v44;
	(erf) = vrcp.f32 v11  }
0x18a: {  	v51 =	vpop (erf);
	v52 =	vld [tilespmem:s12+$0x3F50];
	v6 =	vmul.f32 $1.442695020e+00, v6;
	v14 =	vsub.f32 v41, v46;
	(erf) = vrcp.f32 v12  }
0x18b: {  	v53 =	vpop (erf);
	v54 =	vld [tilespmem:s12+$0x3F60];
	v10 =	vmul.f32 $1.442695020e+00, v50;
	v17 =	vsub.f32 v45, v48;
	(erf) = vrcp.f32 v8  }
0x18c: {  	v55 =	vpop (erf);
	v9 =	vsub.f32 v47, v49;
	v14 =	vmul.f32 $1.442695020e+00, v14;
	(erf) = vpow2.f32 v6  }
0x18d: {  	v56 =	vpop (erf);
	v17 =	vmul.f32 $1.442695020e+00, v17;
	(erf) = vpow2.f32 v10  }
0x18e: {  	v57 =	vand.u32 $0xFFFF0000, v15;
	v58 =	vpop (erf);
	v9 =	vmul.f32 $1.442695020e+00, v9;
	(erf) = vpow2.f32 v14  }
0x18f: {  	v59 =	vshll.u32 v23, $0x10;
	v60 =	vpop (erf);
	v10 =	vsub.f32 v52, v57;
	(erf) = vpow2.f32 v17  }
0x190: {  	v14 =	vsub.f32 v54, v59;
	(erf) = vpow2.f32 v9;
	v61 =	vpop (erf)  }
0x191: {  	v10 =	vmul.f32 $1.442695020e+00, v10;
	v62 =	vpop (erf)  }
0x192: {  	v14 =	vmul.f32 $1.442695020e+00, v14;
	v24 =	vpop (erf)  }
0x193: {  	v63 =	vand.u32 $0xFFFF0000, v5;
	v9 =	vadd.f32 $1.000000000e+00, v61;
	(erf) = vpow2.f32 v10;
	v25 =	vpop (erf)  }
0x194: {  	v11 =	vadd.f32 $1.000000000e+00, v51;
	v8 =	vmul.f32 v63, v55;
	(erf) = vpow2.f32 v14;
	v26 =	vpop (erf)  }
0x195: {  	v12 =	vadd.f32 $1.000000000e+00, v53;
	(erf) = vrcp.f32 v9;
	v27 =	vpop (erf)  }
0x196: {  	[tilespmem:s19+$0x6770] =	vst v8;
	(erf) = vrcp.f32 v11;
	v8 =	vadd.f32 $1.000000000e+00, v27;
	v29 =	vpop (erf)  }
0x197: {  	v16 =	vmul.f32 v16, v60;
	v28 =	vld [tilespmem:s12+$0x5340];
	(erf) = vrcp.f32 v12;
	v11 =	vadd.f32 $1.000000000e+00, v29;
	v31 =	vpop (erf)  }
0x198: {  	v30 =	vld [tilespmem:s12+$0x5350];
	v13 =	vmul.f32 v13, v62;
	v12 =	vadd.f32 $1.000000000e+00, v31;
	v33 =	vpop (erf);
	(erf) = vrcp.f32 v8  }
0x199: {  	v32 =	vld [tilespmem:s12+$0x5360];
	[tilespmem:s19+$0x6700] =	vst v16;
	v34 =	vadd.f32 $1.000000000e+00, v33;
	v35 =	vpop (erf);
	(erf) = vrcp.f32 v11  }
0x19a: {  	[tilespmem:s19+$0x6710] =	vst v13;
	v36 =	vadd.f32 $1.000000000e+00, v35;
	(erf) = vrcp.f32 v12  }
0x19b: {  	v37 =	vld [tilespmem:s12+$0x5370];
	(erf) = vrcp.f32 v34  }
0x19c: {  	v3 =	vmul.f32 v3, v24;
	v38 =	vpop (erf);
	(erf) = vrcp.f32 v36  }
0x19d: {  	v4 =	vmul.f32 v4, v25;
	v8 =	vadd.f32 $1.000000000e+00, v38;
	v39 =	vpop (erf)  }
0x19e: {  	v2 =	vmul.f32 v2, v26;
	[tilespmem:s19+$0x6720] =	vst v3;
	v40 =	vadd.f32 $1.000000000e+00, v39;
	v41 =	vpop (erf)  }
0x19f: {  	v0 =	vmul.f32 v0, v56;
	[tilespmem:s19+$0x6730] =	vst v4;
	(erf) = vrcp.f32 v8;
	v42 =	vpop (erf)  }
0x1a0: {  	v1 =	vmul.f32 v1, v58;
	[tilespmem:s19+$0x6740] =	vst v2;
	v43 =	vand.u32 $0xFFFF0000, v37;
	v44 =	vpop (erf);
	(erf) = vrcp.f32 v40  }
0x1a1: {  	v45 =	vshll.u32 v28, $0x10;
	[tilespmem:s18+$0x6750] =	vst v0;
	v46 =	vmul.f32 v43, v41;
	v47 =	vpop (erf)  }
0x1a2: {  	v48 =	vand.u32 $0xFFFF0000, v28;
	[tilespmem:s18+$0x6760] =	vst v1;
	v49 =	vpop (erf);
	v2 =	vmul.f32 v45, v47  }
0x1a3: {  	v50 =	vshll.u32 v30, $0x10;
	[tilespmem:s12+$0x6770] =	vst v46;
	v51 =	vpop (erf);
	v1 =	vmul.f32 v48, v49  }
0x1a4: {  	v52 =	vand.u32 $0xFFFF0000, v30;
	v53 =	vpop (erf);
	[tilespmem:s12+$0x6700] =	vst v2;
	v0 =	vmul.f32 v50, v51  }
0x1a5: {  	v54 =	vshll.u32 v32, $0x10;
	v55 =	vpop (erf);
	[tilespmem:s12+$0x6710] =	vst v1;
	v56 =	vmul.f32 v52, v53  }
0x1a6: {  	v7 =	vand.u32 $0xFFFF0000, v7;
	v2 =	vmul.f32 v54, v55;
	[tilespmem:s12+$0x6720] =	vst v0  }
0x1a7: {  	v57 =	vshll.u32 v5, $0x10;
	v58 =	vmul.f32 v7, v42;
	[tilespmem:s12+$0x6730] =	vst v56  }
0x1a8: {  	v59 =	vand.u32 $0xFFFF0000, v32;
	v0 =	vmul.f32 v57, v44;
	v60 =	vpop (erf);
	[tilespmem:s12+$0x6740] =	vst v2  }
.Ltmp4:
0x1a9: {  	v61 =	vshll.u32 v37, $0x10;
	v1 =	vmul.f32 v59, v60;
	v62 =	vpop (erf);
	[tilespmem:s19+$0x6750] =	vst v58;
	(pc) =	sbr.rel @p6 .LBB2_8-.Ltmp4, $4  }
0x1aa: {  	[tilespmem:s19+$0x6760] =	vst v0;
	v63 =	vmul.f32 v61, v62  }
0x1ab: {  	[tilespmem:s12+$0x6750] =	vst v1  }
0x1ac: {  	[tilespmem:s12+$0x6760] =	vst v63  }
0x1ad: {  	[spmem:s2] =	stream.indirect.scatter.add.f32 [tilespmem:s17], [sflag:$0x8], $0x80, s25, s29, $0xb8;
	[tilespmem:$0x1B380] =	vst v63  }
0x1ae: {  	s7 =	sadd.s32 $0x180, s7  }
0x1af: {  	s10 =	sand.u32 $0xFC00, s7  }
0x1b0: {  	s7 =	sand.u32 $0x380, s7;
	s10 =	sadd.s32 s9, s10  }
0x1b1: {  	s7 =	sor.u32 s7, s10  }
0x1b2: {  	s7 =	sshrl.u32 s7, $0x3  }
0x1b3: {  	s19 =	sadd.s32 s5, s7  }
0x1b4: {  	[tilespmem:s24], [sflag:$0x5] =	stream.linear.gather [hbm4b:s19+s3], $0x80, $0x38;
	[tilespmem:$0x1B380] =	vst v63  }
.Ltmp5:
0x1b5: {  	_ = 	snop;
	(pc) =	sbr.rel .LBB2_2-.Ltmp5, $4  }
0x1b6: {  	_ = 	snop  }
0x1b7: {  	[tilespmem:s25], [sflag:$0x5] =	stream.linear.gather [hbm4b:s19+s3], $0x80, $0x38;
	[tilespmem:$0x1B380] =	vst v63  }
0x1b8: {  	s21 =	sadd.s32 $0x1, s21;
	s7 =	sadd.s32 s4, s7  }
0x1b9: {  	[tilespmem:s26], [sflag:$0x5] =	stream.linear.gather [hbm4b:s7+s3], $0x80, $0x38;
	[tilespmem:$0x1B380] =	vst v63  }
.LBB2_9:
0x1ba: {  	_ =	sfence.sel $0x180000  }
0x1bb: {  	[bflag:$0x0] =	sbarrier.arrive $0xFFFF  }
0x1bc: {  	_ =	strace $0x90000047  }
0x1bd: {  	[bflag:$0x2] =	sbarrier.arrive $0xFFFF  }
0x1be: {  	s0 =	rddreg [dreg:$0x3]  }
0x1bf: {  	s0 =	sadd.s32 @!p0 $0x100000, s0  }
0x1c0: {  	[sflag:s0] =	ssyncadd.tile.s32 @!p0 $0x1;
	_ =	shalt  }
.Lfunc_end2:
_tile_overlayer_lowered:
.L_overlay_start_2:
0x1c1: {  	(tag) =	ssettag $0x2  }
0x1c2: {  	s0 =	rddreg [dreg:$0x0];
	s2 =	stileid.u32  }
0x1c3: {  	s1 =	rddreg [dreg:$0x1];
	p0 =	sne.s32 s2, $0x0  }
0x1c4: {  	s3 =	rddreg [dreg:$0x2];
	[bflag:$0x3] =	sbarrier.arrive $0xFFFF;
	s2 =	simm.s32 @!p0 $0x1C09  }
0x1c5: {  	[timem:s3], [sflag:s2] =	dma.local @!p0 [hbm:s0], s1  }
0x1c6: {  	s0 =	simm.s32 @!p0 $0x9  }
0x1c7: {  	_ =	swait.ge @!p0 [sflag:s0], s1  }
0x1c8: {  	s1 =	ssub.s32 @!p0 $0x0, s1;
	[sflag:s0] =	ssyncset.done @!p0 $0x0  }
0x1c9: {  	[sflag:s0] =	ssyncadd.s32 @!p0 s1  }
0x1ca: {  	[bflag:$0x3] =	sbarrier.arrive $0xFFFF  }
0x1cb: {  	_ =	shalt  }

</sc_bundles>
